<compile_context>
chip_gen: v7x
topology: tpu7x:2x2x1
jax: 0.10.2.dev20260603
libtpu: 0.0.44.dev20260713+nightly
codegen_flags: <defaults>
</compile_context>

<pallas_src>
import jax
import jax.numpy as jnp
from jax import lax
from jax.experimental import pallas as pl
from jax.experimental.pallas import tpu as pltpu
from jax.experimental.pallas import tpu_sc as plsc

DIM = 128
BATCH = 1024 * 200

NC = 2
NS = 16
NW = NC * NS
B_PER_W = BATCH // NW
CHUNK = 128
N_CHUNKS = B_PER_W // CHUNK
NBUF = 5
NGROUPS = N_CHUNKS // NBUF


def _emb_body(idx_hbm, table_hbm, out_hbm, idx_v, rows_v, gsem, wsem):
    wid = lax.axis_index("s") * NC + lax.axis_index("c")
    base = wid * B_PER_W

    pltpu.sync_copy(idx_hbm.at[pl.ds(base, B_PER_W)], idx_v)

    def gather(c, b):
        return pltpu.make_async_copy(
            table_hbm.at[idx_v.at[pl.ds(c * CHUNK, CHUNK)]],
            rows_v.at[b], gsem.at[b])

    def write(c, b):
        return pltpu.make_async_copy(
            rows_v.at[b], out_hbm.at[pl.ds(base + c * CHUNK, CHUNK)],
            wsem.at[b])

    LAG = 3

    for b in range(LAG):
        gather(b, b).start()
    for b in range(NBUF):
        cn = b + LAG
        if cn < NBUF:
            gather(cn, cn).start()
        else:
            write(cn - NBUF, cn - NBUF).wait()
            gather(cn, cn - NBUF).start()
        gather(b, b).wait()
        write(b, b).start()

    def group(g, carry):
        for b in range(NBUF):
            c = g * NBUF + b
            bn = (b + LAG) % NBUF
            write(c + LAG - NBUF, bn).wait()
            gather(c + LAG, bn).start()
            gather(c, b).wait()
            write(c, b).start()
        return carry

    lax.fori_loop(1, NGROUPS - 1, group, 0)

    last = (NGROUPS - 1) * NBUF
    for b in range(NBUF):
        c = last + b
        cn = c + LAG
        if cn < N_CHUNKS:
            bn = (b + LAG) % NBUF
            write(cn - NBUF, bn).wait()
            gather(cn, bn).start()
        gather(c, b).wait()
        write(c, b).start()
    for b in range(NBUF):
        write(last + b, b).wait()


@jax.jit
def _embedding_sc(idx, table):
    mesh = plsc.VectorSubcoreMesh(core_axis_name="c", subcore_axis_name="s")
    f = pl.kernel(
        _emb_body,
        out_type=jax.ShapeDtypeStruct((BATCH, DIM), jnp.float32),
        mesh=mesh,
        scratch_types=[
            pltpu.VMEM((B_PER_W,), jnp.int32),
            pltpu.VMEM((NBUF, CHUNK, DIM), jnp.float32),
            pltpu.SemaphoreType.DMA((NBUF,)),
            pltpu.SemaphoreType.DMA((NBUF,)),
        ],
    )
    return f(idx, table)


def kernel(x, weight):
    idx = x.reshape(-1).astype(jnp.int32)
    out = _embedding_sc(idx, weight)
    return out.reshape(x.shape + (DIM,))

# --- scband reference (transcript-rebuilt; emitter-appended) ---
"""Pipeline reference for scband-llama-embedding-5806795784781 (READ-ONLY COPY).

The authoritative reference and input builder live on the scoring server;
editing this copy changes nothing except your own understanding.
"""

import jax, jax.numpy as jnp
import numpy as np

NUM_EMBEDDINGS = 100000
EMBEDDING_DIM = 128

def setup_inputs(seed: int = 0) -> dict:
    key = jax.random.key(seed)
    k1, k2 = jax.random.split(key)
    x = jax.random.randint(k1, (1024, 200), 0, NUM_EMBEDDINGS, dtype=jnp.int64)
    weight = jax.random.normal(k2, (NUM_EMBEDDINGS, EMBEDDING_DIM), dtype=jnp.float32)
    return {"x": x, "weight": weight}

def reference(x, weight):
    # Faithful translation of LlamaEmbedding.__call__ with param_dtype=compute_dtype=float32
    w = weight.astype(jnp.float32)
    embeddings = jnp.take(w, x, axis=0)
    return embeddings.astype(jnp.float32)

if __name__ == "__main__":
    import jax
    _d = setup_inputs()
    print(jax.jit(kernel)(*tuple(_d.values())))

</pallas_src>

<mosaic_0001>
#map = affine_map<(d0, d1) -> (0)>
#map1 = affine_map<(d0, d1) -> (0, 0)>
module attributes {stable_mosaic.version = 14 : i64} {
  func.func @_emb_body(%arg0: i32, %arg1: i32, %arg2: memref<204800xi32, #tpu.memory_space<hbm>>, %arg3: memref<100000x128xf32, #tpu.memory_space<hbm>>, %arg4: memref<204800x128xf32, #tpu.memory_space<hbm>>, %arg5: memref<6400xi32, #tpu.memory_space<vmem>>, %arg6: memref<5x128x128xf32, #tpu.memory_space<vmem>>, %arg7: memref<5x!tpu.dma_semaphore, #tpu.memory_space<semaphore_mem>>, %arg8: memref<5x!tpu.dma_semaphore, #tpu.memory_space<semaphore_mem>>) attributes {dimension_semantics = [#tpu.dimension_semantics<core_parallel>, #tpu.dimension_semantics<subcore_parallel>], iteration_bounds = array<i64: 2, 16>, scalar_prefetch = 0 : i64, scratch_operands = 4 : i64, tpu.core_type = #tpu.core_type<sc_vector_subcore>, window_params = [{transform_indices = #map}, {transform_indices = #map1}, {transform_indices = #map1}]} {
    %mul3A = arith.constant 2 : i32
    %mul3A_0 = arith.muli %arg1, %mul3A : i32
    %add3A = arith.addi %mul3A_0, %arg0 : i32
    %mul3A_1 = arith.constant 6400 : i32
    %mul3A_2 = arith.muli %add3A, %mul3A_1 : i32
    "tpu.region"() ({
      %run_scoped3A = tpu.sem_alloc : memref<!tpu.dma_semaphore, #tpu.memory_space<semaphore_mem>>
      %dma_start3A_626 = tpu.memref_slice %arg2[%mul3A_2] : memref<204800xi32, #tpu.memory_space<hbm>> -> memref<6400xi32, #tpu.memory_space<hbm>>
      %dma_start3A_627 = tpu.memref_slice %arg2[%mul3A_2] : memref<204800xi32, #tpu.memory_space<hbm>> -> memref<6400xi32, #tpu.memory_space<hbm>>
      tpu.enqueue_dma source(%dma_start3A_627 : memref<6400xi32, #tpu.memory_space<hbm>>) target(%arg5 : memref<6400xi32, #tpu.memory_space<vmem>>) target_semaphore(%run_scoped3A : memref<!tpu.dma_semaphore, #tpu.memory_space<semaphore_mem>>)
      %dma_wait3A_628 = tpu.memref_slice %arg2[%mul3A_2] : memref<204800xi32, #tpu.memory_space<hbm>> -> memref<6400xi32, #tpu.memory_space<hbm>>
      %dma_wait3A_629 = tpu.memref_slice %arg2[%mul3A_2] : memref<204800xi32, #tpu.memory_space<hbm>> -> memref<6400xi32, #tpu.memory_space<hbm>>
      tpu.wait_dma2 semaphore(%run_scoped3A : memref<!tpu.dma_semaphore, #tpu.memory_space<semaphore_mem>>) src(%dma_wait3A_629 : memref<6400xi32, #tpu.memory_space<hbm>>) dst(%arg5 : memref<6400xi32, #tpu.memory_space<vmem>>)
      tpu.yield
    }) : () -> ()
    %dma_start3A = arith.constant 0 : i32
    %dma_start3A_3 = arith.constant 0 : i32
    %dma_start3A_4 = arith.constant 0 : i32
    %dma_start3A_5 = arith.constant 0 : i32
    %dma_start3A_6 = tpu.memref_slice %arg6[%dma_start3A, %dma_start3A_4, %dma_start3A_5] : memref<5x128x128xf32, #tpu.memory_space<vmem>> -> memref<1x128x128xf32, #tpu.memory_space<vmem>>
    %dma_start3A_7 = tpu.memref_squeeze %dma_start3A_6 : memref<1x128x128xf32, #tpu.memory_space<vmem>> -> memref<128x128xf32, #tpu.memory_space<vmem>>
    %dma_start3A_8 = arith.constant 0 : i32
    %dma_start3A_9 = tpu.memref_slice %arg5[%dma_start3A_8] : memref<6400xi32, #tpu.memory_space<vmem>> -> memref<128xi32, #tpu.memory_space<vmem>>
    %dma_start3A_10 = arith.constant 0 : i32
    %dma_start3A_11 = arith.constant 0 : i32
    %dma_start3A_12 = tpu.memref_slice %arg3[%dma_start3A_10, %dma_start3A_11] : memref<100000x128xf32, #tpu.memory_space<hbm>> -> memref<100000x128xf32, #tpu.memory_space<hbm>>
    %dma_start3A_13 = tpu.memref_slice %arg7[%dma_start3A_3] : memref<5x!tpu.dma_semaphore, #tpu.memory_space<semaphore_mem>> -> memref<1x!tpu.dma_semaphore, #tpu.memory_space<semaphore_mem>>
    %dma_start3A_14 = tpu.memref_squeeze %dma_start3A_13 : memref<1x!tpu.dma_semaphore, #tpu.memory_space<semaphore_mem>> -> memref<!tpu.dma_semaphore, #tpu.memory_space<semaphore_mem>>
    tpu.enqueue_indirect_dma source(%dma_start3A_12 : memref<100000x128xf32, #tpu.memory_space<hbm>>) target(%dma_start3A_7 : memref<128x128xf32, #tpu.memory_space<vmem>>) offsets(%dma_start3A_9 : memref<128xi32, #tpu.memory_space<vmem>>) semaphore(%dma_start3A_14 : memref<!tpu.dma_semaphore, #tpu.memory_space<semaphore_mem>>)
    %dma_start3A_15 = arith.constant 1 : i32
    %dma_start3A_16 = arith.constant 1 : i32
    %dma_start3A_17 = arith.constant 0 : i32
    %dma_start3A_18 = arith.constant 0 : i32
    %dma_start3A_19 = tpu.memref_slice %arg6[%dma_start3A_15, %dma_start3A_17, %dma_start3A_18] : memref<5x128x128xf32, #tpu.memory_space<vmem>> -> memref<1x128x128xf32, #tpu.memory_space<vmem>>
    %dma_start3A_20 = tpu.memref_squeeze %dma_start3A_19 : memref<1x128x128xf32, #tpu.memory_space<vmem>> -> memref<128x128xf32, #tpu.memory_space<vmem>>
    %dma_start3A_21 = arith.constant 128 : i32
    %dma_start3A_22 = tpu.memref_slice %arg5[%dma_start3A_21] : memref<6400xi32, #tpu.memory_space<vmem>> -> memref<128xi32, #tpu.memory_space<vmem>>
    %dma_start3A_23 = arith.constant 0 : i32
    %dma_start3A_24 = arith.constant 0 : i32
    %dma_start3A_25 = tpu.memref_slice %arg3[%dma_start3A_23, %dma_start3A_24] : memref<100000x128xf32, #tpu.memory_space<hbm>> -> memref<100000x128xf32, #tpu.memory_space<hbm>>
    %dma_start3A_26 = tpu.memref_slice %arg7[%dma_start3A_16] : memref<5x!tpu.dma_semaphore, #tpu.memory_space<semaphore_mem>> -> memref<1x!tpu.dma_semaphore, #tpu.memory_space<semaphore_mem>>
    %dma_start3A_27 = tpu.memref_squeeze %dma_start3A_26 : memref<1x!tpu.dma_semaphore, #tpu.memory_space<semaphore_mem>> -> memref<!tpu.dma_semaphore, #tpu.memory_space<semaphore_mem>>
    tpu.enqueue_indirect_dma source(%dma_start3A_25 : memref<100000x128xf32, #tpu.memory_space<hbm>>) target(%dma_start3A_20 : memref<128x128xf32, #tpu.memory_space<vmem>>) offsets(%dma_start3A_22 : memref<128xi32, #tpu.memory_space<vmem>>) semaphore(%dma_start3A_27 : memref<!tpu.dma_semaphore, #tpu.memory_space<semaphore_mem>>)
    %dma_start3A_28 = arith.constant 2 : i32
    %dma_start3A_29 = arith.constant 2 : i32
    %dma_start3A_30 = arith.constant 0 : i32
    %dma_start3A_31 = arith.constant 0 : i32
    %dma_start3A_32 = tpu.memref_slice %arg6[%dma_start3A_28, %dma_start3A_30, %dma_start3A_31] : memref<5x128x128xf32, #tpu.memory_space<vmem>> -> memref<1x128x128xf32, #tpu.memory_space<vmem>>
    %dma_start3A_33 = tpu.memref_squeeze %dma_start3A_32 : memref<1x128x128xf32, #tpu.memory_space<vmem>> -> memref<128x128xf32, #tpu.memory_space<vmem>>
    %dma_start3A_34 = arith.constant 256 : i32
    %dma_start3A_35 = tpu.memref_slice %arg5[%dma_start3A_34] : memref<6400xi32, #tpu.memory_space<vmem>> -> memref<128xi32, #tpu.memory_space<vmem>>
    %dma_start3A_36 = arith.constant 0 : i32
    %dma_start3A_37 = arith.constant 0 : i32
    %dma_start3A_38 = tpu.memref_slice %arg3[%dma_start3A_36, %dma_start3A_37] : memref<100000x128xf32, #tpu.memory_space<hbm>> -> memref<100000x128xf32, #tpu.memory_space<hbm>>
    %dma_start3A_39 = tpu.memref_slice %arg7[%dma_start3A_29] : memref<5x!tpu.dma_semaphore, #tpu.memory_space<semaphore_mem>> -> memref<1x!tpu.dma_semaphore, #tpu.memory_space<semaphore_mem>>
    %dma_start3A_40 = tpu.memref_squeeze %dma_start3A_39 : memref<1x!tpu.dma_semaphore, #tpu.memory_space<semaphore_mem>> -> memref<!tpu.dma_semaphore, #tpu.memory_space<semaphore_mem>>
    tpu.enqueue_indirect_dma source(%dma_start3A_38 : memref<100000x128xf32, #tpu.memory_space<hbm>>) target(%dma_start3A_33 : memref<128x128xf32, #tpu.memory_space<vmem>>) offsets(%dma_start3A_35 : memref<128xi32, #tpu.memory_space<vmem>>) semaphore(%dma_start3A_40 : memref<!tpu.dma_semaphore, #tpu.memory_space<semaphore_mem>>)
    %dma_start3A_41 = arith.constant 3 : i32
    %dma_start3A_42 = arith.constant 3 : i32
    %dma_start3A_43 = arith.constant 0 : i32
    %dma_start3A_44 = arith.constant 0 : i32
    %dma_start3A_45 = tpu.memref_slice %arg6[%dma_start3A_41, %dma_start3A_43, %dma_start3A_44] : memref<5x128x128xf32, #tpu.memory_space<vmem>> -> memref<1x128x128xf32, #tpu.memory_space<vmem>>
    %dma_start3A_46 = tpu.memref_squeeze %dma_start3A_45 : memref<1x128x128xf32, #tpu.memory_space<vmem>> -> memref<128x128xf32, #tpu.memory_space<vmem>>
    %dma_start3A_47 = arith.constant 384 : i32
    %dma_start3A_48 = tpu.memref_slice %arg5[%dma_start3A_47] : memref<6400xi32, #tpu.memory_space<vmem>> -> memref<128xi32, #tpu.memory_space<vmem>>
    %dma_start3A_49 = arith.constant 0 : i32
    %dma_start3A_50 = arith.constant 0 : i32
    %dma_start3A_51 = tpu.memref_slice %arg3[%dma_start3A_49, %dma_start3A_50] : memref<100000x128xf32, #tpu.memory_space<hbm>> -> memref<100000x128xf32, #tpu.memory_space<hbm>>
    %dma_start3A_52 = tpu.memref_slice %arg7[%dma_start3A_42] : memref<5x!tpu.dma_semaphore, #tpu.memory_space<semaphore_mem>> -> memref<1x!tpu.dma_semaphore, #tpu.memory_space<semaphore_mem>>
    %dma_start3A_53 = tpu.memref_squeeze %dma_start3A_52 : memref<1x!tpu.dma_semaphore, #tpu.memory_space<semaphore_mem>> -> memref<!tpu.dma_semaphore, #tpu.memory_space<semaphore_mem>>
    tpu.enqueue_indirect_dma source(%dma_start3A_51 : memref<100000x128xf32, #tpu.memory_space<hbm>>) target(%dma_start3A_46 : memref<128x128xf32, #tpu.memory_space<vmem>>) offsets(%dma_start3A_48 : memref<128xi32, #tpu.memory_space<vmem>>) semaphore(%dma_start3A_53 : memref<!tpu.dma_semaphore, #tpu.memory_space<semaphore_mem>>)
    %dma_wait3A = arith.constant 0 : i32
    %dma_wait3A_54 = arith.constant 0 : i32
    %dma_wait3A_55 = arith.constant 0 : i32
    %dma_wait3A_56 = arith.constant 0 : i32
    %dma_wait3A_57 = tpu.memref_slice %arg6[%dma_wait3A, %dma_wait3A_55, %dma_wait3A_56] : memref<5x128x128xf32, #tpu.memory_space<vmem>> -> memref<1x128x128xf32, #tpu.memory_space<vmem>>
    %dma_wait3A_58 = tpu.memref_squeeze %dma_wait3A_57 : memref<1x128x128xf32, #tpu.memory_space<vmem>> -> memref<128x128xf32, #tpu.memory_space<vmem>>
    %dma_wait3A_59 = arith.constant 0 : i32
    %dma_wait3A_60 = tpu.memref_slice %arg5[%dma_wait3A_59] : memref<6400xi32, #tpu.memory_space<vmem>> -> memref<128xi32, #tpu.memory_space<vmem>>
    %dma_wait3A_61 = arith.constant 0 : i32
    %dma_wait3A_62 = arith.constant 0 : i32
    %dma_wait3A_63 = tpu.memref_slice %arg3[%dma_wait3A_61, %dma_wait3A_62] : memref<100000x128xf32, #tpu.memory_space<hbm>> -> memref<100000x128xf32, #tpu.memory_space<hbm>>
    %dma_wait3A_64 = tpu.memref_slice %arg7[%dma_wait3A_54] : memref<5x!tpu.dma_semaphore, #tpu.memory_space<semaphore_mem>> -> memref<1x!tpu.dma_semaphore, #tpu.memory_space<semaphore_mem>>
    %dma_wait3A_65 = tpu.memref_squeeze %dma_wait3A_64 : memref<1x!tpu.dma_semaphore, #tpu.memory_space<semaphore_mem>> -> memref<!tpu.dma_semaphore, #tpu.memory_space<semaphore_mem>>
    tpu.wait_indirect_dma semaphore(%dma_wait3A_65 : memref<!tpu.dma_semaphore, #tpu.memory_space<semaphore_mem>>) src(%dma_wait3A_63 : memref<100000x128xf32, #tpu.memory_space<hbm>>) dst(%dma_wait3A_58 : memref<128x128xf32, #tpu.memory_space<vmem>>)
    %add3A_66 = arith.constant 0 : i32
    %add3A_67 = arith.addi %mul3A_2, %add3A_66 : i32
    %dma_start3A_68 = arith.constant 0 : i32
    %dma_start3A_69 = arith.constant 0 : i32
    %dma_start3A_70 = arith.constant 0 : i32
    %dma_start3A_71 = arith.constant 0 : i32
    %dma_start3A_72 = tpu.memref_slice %arg6[%dma_start3A_68, %dma_start3A_70, %dma_start3A_71] : memref<5x128x128xf32, #tpu.memory_space<vmem>> -> memref<1x128x128xf32, #tpu.memory_space<vmem>>
    %dma_start3A_73 = tpu.memref_squeeze %dma_start3A_72 : memref<1x128x128xf32, #tpu.memory_space<vmem>> -> memref<128x128xf32, #tpu.memory_space<vmem>>
    %dma_start3A_74 = arith.constant 0 : i32
    %dma_start3A_75 = tpu.memref_slice %arg4[%add3A_67, %dma_start3A_74] : memref<204800x128xf32, #tpu.memory_space<hbm>> -> memref<128x128xf32, #tpu.memory_space<hbm>>
    %dma_start3A_76 = tpu.memref_slice %arg8[%dma_start3A_69] : memref<5x!tpu.dma_semaphore, #tpu.memory_space<semaphore_mem>> -> memref<1x!tpu.dma_semaphore, #tpu.memory_space<semaphore_mem>>
    %dma_start3A_77 = tpu.memref_squeeze %dma_start3A_76 : memref<1x!tpu.dma_semaphore, #tpu.memory_space<semaphore_mem>> -> memref<!tpu.dma_semaphore, #tpu.memory_space<semaphore_mem>>
    %dma_start3A_78 = arith.constant 0 : i32
    %dma_start3A_79 = tpu.memref_slice %arg4[%add3A_67, %dma_start3A_78] : memref<204800x128xf32, #tpu.memory_space<hbm>> -> memref<128x128xf32, #tpu.memory_space<hbm>>
    %dma_start3A_80 = arith.constant 0 : i32
    %dma_start3A_81 = arith.constant 0 : i32
    %dma_start3A_82 = tpu.memref_slice %arg6[%dma_start3A_68, %dma_start3A_80, %dma_start3A_81] : memref<5x128x128xf32, #tpu.memory_space<vmem>> -> memref<1x128x128xf32, #tpu.memory_space<vmem>>
    %dma_start3A_83 = tpu.memref_squeeze %dma_start3A_82 : memref<1x128x128xf32, #tpu.memory_space<vmem>> -> memref<128x128xf32, #tpu.memory_space<vmem>>
    tpu.enqueue_dma source(%dma_start3A_83 : memref<128x128xf32, #tpu.memory_space<vmem>>) target(%dma_start3A_79 : memref<128x128xf32, #tpu.memory_space<hbm>>) target_semaphore(%dma_start3A_77 : memref<!tpu.dma_semaphore, #tpu.memory_space<semaphore_mem>>)
    %dma_start3A_84 = arith.constant 4 : i32
    %dma_start3A_85 = arith.constant 4 : i32
    %dma_start3A_86 = arith.constant 0 : i32
    %dma_start3A_87 = arith.constant 0 : i32
    %dma_start3A_88 = tpu.memref_slice %arg6[%dma_start3A_84, %dma_start3A_86, %dma_start3A_87] : memref<5x128x128xf32, #tpu.memory_space<vmem>> -> memref<1x128x128xf32, #tpu.memory_space<vmem>>
    %dma_start3A_89 = tpu.memref_squeeze %dma_start3A_88 : memref<1x128x128xf32, #tpu.memory_space<vmem>> -> memref<128x128xf32, #tpu.memory_space<vmem>>
    %dma_start3A_90 = arith.constant 512 : i32
    %dma_start3A_91 = tpu.memref_slice %arg5[%dma_start3A_90] : memref<6400xi32, #tpu.memory_space<vmem>> -> memref<128xi32, #tpu.memory_space<vmem>>
    %dma_start3A_92 = arith.constant 0 : i32
    %dma_start3A_93 = arith.constant 0 : i32
    %dma_start3A_94 = tpu.memref_slice %arg3[%dma_start3A_92, %dma_start3A_93] : memref<100000x128xf32, #tpu.memory_space<hbm>> -> memref<100000x128xf32, #tpu.memory_space<hbm>>
    %dma_start3A_95 = tpu.memref_slice %arg7[%dma_start3A_85] : memref<5x!tpu.dma_semaphore, #tpu.memory_space<semaphore_mem>> -> memref<1x!tpu.dma_semaphore, #tpu.memory_space<semaphore_mem>>
    %dma_start3A_96 = tpu.memref_squeeze %dma_start3A_95 : memref<1x!tpu.dma_semaphore, #tpu.memory_space<semaphore_mem>> -> memref<!tpu.dma_semaphore, #tpu.memory_space<semaphore_mem>>
    tpu.enqueue_indirect_dma source(%dma_start3A_94 : memref<100000x128xf32, #tpu.memory_space<hbm>>) target(%dma_start3A_89 : memref<128x128xf32, #tpu.memory_space<vmem>>) offsets(%dma_start3A_91 : memref<128xi32, #tpu.memory_space<vmem>>) semaphore(%dma_start3A_96 : memref<!tpu.dma_semaphore, #tpu.memory_space<semaphore_mem>>)
    %dma_wait3A_97 = arith.constant 1 : i32
    %dma_wait3A_98 = arith.constant 1 : i32
    %dma_wait3A_99 = arith.constant 0 : i32
    %dma_wait3A_100 = arith.constant 0 : i32
    %dma_wait3A_101 = tpu.memref_slice %arg6[%dma_wait3A_97, %dma_wait3A_99, %dma_wait3A_100] : memref<5x128x128xf32, #tpu.memory_space<vmem>> -> memref<1x128x128xf32, #tpu.memory_space<vmem>>
    %dma_wait3A_102 = tpu.memref_squeeze %dma_wait3A_101 : memref<1x128x128xf32, #tpu.memory_space<vmem>> -> memref<128x128xf32, #tpu.memory_space<vmem>>
    %dma_wait3A_103 = arith.constant 128 : i32
    %dma_wait3A_104 = tpu.memref_slice %arg5[%dma_wait3A_103] : memref<6400xi32, #tpu.memory_space<vmem>> -> memref<128xi32, #tpu.memory_space<vmem>>
    %dma_wait3A_105 = arith.constant 0 : i32
    %dma_wait3A_106 = arith.constant 0 : i32
    %dma_wait3A_107 = tpu.memref_slice %arg3[%dma_wait3A_105, %dma_wait3A_106] : memref<100000x128xf32, #tpu.memory_space<hbm>> -> memref<100000x128xf32, #tpu.memory_space<hbm>>
    %dma_wait3A_108 = tpu.memref_slice %arg7[%dma_wait3A_98] : memref<5x!tpu.dma_semaphore, #tpu.memory_space<semaphore_mem>> -> memref<1x!tpu.dma_semaphore, #tpu.memory_space<semaphore_mem>>
    %dma_wait3A_109 = tpu.memref_squeeze %dma_wait3A_108 : memref<1x!tpu.dma_semaphore, #tpu.memory_space<semaphore_mem>> -> memref<!tpu.dma_semaphore, #tpu.memory_space<semaphore_mem>>
    tpu.wait_indirect_dma semaphore(%dma_wait3A_109 : memref<!tpu.dma_semaphore, #tpu.memory_space<semaphore_mem>>) src(%dma_wait3A_107 : memref<100000x128xf32, #tpu.memory_space<hbm>>) dst(%dma_wait3A_102 : memref<128x128xf32, #tpu.memory_space<vmem>>)
    %add3A_110 = arith.constant 128 : i32
    %add3A_111 = arith.addi %mul3A_2, %add3A_110 : i32
    %dma_start3A_112 = arith.constant 1 : i32
    %dma_start3A_113 = arith.constant 1 : i32
    %dma_start3A_114 = arith.constant 0 : i32
    %dma_start3A_115 = arith.constant 0 : i32
    %dma_start3A_116 = tpu.memref_slice %arg6[%dma_start3A_112, %dma_start3A_114, %dma_start3A_115] : memref<5x128x128xf32, #tpu.memory_space<vmem>> -> memref<1x128x128xf32, #tpu.memory_space<vmem>>
    %dma_start3A_117 = tpu.memref_squeeze %dma_start3A_116 : memref<1x128x128xf32, #tpu.memory_space<vmem>> -> memref<128x128xf32, #tpu.memory_space<vmem>>
    %dma_start3A_118 = arith.constant 0 : i32
    %dma_start3A_119 = tpu.memref_slice %arg4[%add3A_111, %dma_start3A_118] : memref<204800x128xf32, #tpu.memory_space<hbm>> -> memref<128x128xf32, #tpu.memory_space<hbm>>
    %dma_start3A_120 = tpu.memref_slice %arg8[%dma_start3A_113] : memref<5x!tpu.dma_semaphore, #tpu.memory_space<semaphore_mem>> -> memref<1x!tpu.dma_semaphore, #tpu.memory_space<semaphore_mem>>
    %dma_start3A_121 = tpu.memref_squeeze %dma_start3A_120 : memref<1x!tpu.dma_semaphore, #tpu.memory_space<semaphore_mem>> -> memref<!tpu.dma_semaphore, #tpu.memory_space<semaphore_mem>>
    %dma_start3A_122 = arith.constant 0 : i32
    %dma_start3A_123 = tpu.memref_slice %arg4[%add3A_111, %dma_start3A_122] : memref<204800x128xf32, #tpu.memory_space<hbm>> -> memref<128x128xf32, #tpu.memory_space<hbm>>
    %dma_start3A_124 = arith.constant 0 : i32
    %dma_start3A_125 = arith.constant 0 : i32
    %dma_start3A_126 = tpu.memref_slice %arg6[%dma_start3A_112, %dma_start3A_124, %dma_start3A_125] : memref<5x128x128xf32, #tpu.memory_space<vmem>> -> memref<1x128x128xf32, #tpu.memory_space<vmem>>
    %dma_start3A_127 = tpu.memref_squeeze %dma_start3A_126 : memref<1x128x128xf32, #tpu.memory_space<vmem>> -> memref<128x128xf32, #tpu.memory_space<vmem>>
    tpu.enqueue_dma source(%dma_start3A_127 : memref<128x128xf32, #tpu.memory_space<vmem>>) target(%dma_start3A_123 : memref<128x128xf32, #tpu.memory_space<hbm>>) target_semaphore(%dma_start3A_121 : memref<!tpu.dma_semaphore, #tpu.memory_space<semaphore_mem>>)
    %add3A_128 = arith.constant 0 : i32
    %add3A_129 = arith.addi %mul3A_2, %add3A_128 : i32
    %dma_wait3A_130 = arith.constant 0 : i32
    %dma_wait3A_131 = arith.constant 0 : i32
    %dma_wait3A_132 = arith.constant 0 : i32
    %dma_wait3A_133 = arith.constant 0 : i32
    %dma_wait3A_134 = tpu.memref_slice %arg6[%dma_wait3A_130, %dma_wait3A_132, %dma_wait3A_133] : memref<5x128x128xf32, #tpu.memory_space<vmem>> -> memref<1x128x128xf32, #tpu.memory_space<vmem>>
    %dma_wait3A_135 = tpu.memref_squeeze %dma_wait3A_134 : memref<1x128x128xf32, #tpu.memory_space<vmem>> -> memref<128x128xf32, #tpu.memory_space<vmem>>
    %dma_wait3A_136 = arith.constant 0 : i32
    %dma_wait3A_137 = tpu.memref_slice %arg4[%add3A_129, %dma_wait3A_136] : memref<204800x128xf32, #tpu.memory_space<hbm>> -> memref<128x128xf32, #tpu.memory_space<hbm>>
    %dma_wait3A_138 = tpu.memref_slice %arg8[%dma_wait3A_131] : memref<5x!tpu.dma_semaphore, #tpu.memory_space<semaphore_mem>> -> memref<1x!tpu.dma_semaphore, #tpu.memory_space<semaphore_mem>>
    %dma_wait3A_139 = tpu.memref_squeeze %dma_wait3A_138 : memref<1x!tpu.dma_semaphore, #tpu.memory_space<semaphore_mem>> -> memref<!tpu.dma_semaphore, #tpu.memory_space<semaphore_mem>>
    %dma_wait3A_140 = arith.constant 0 : i32
    %dma_wait3A_141 = tpu.memref_slice %arg4[%add3A_129, %dma_wait3A_140] : memref<204800x128xf32, #tpu.memory_space<hbm>> -> memref<128x128xf32, #tpu.memory_space<hbm>>
    %dma_wait3A_142 = arith.constant 0 : i32
    %dma_wait3A_143 = arith.constant 0 : i32
    %dma_wait3A_144 = tpu.memref_slice %arg6[%dma_wait3A_130, %dma_wait3A_142, %dma_wait3A_143] : memref<5x128x128xf32, #tpu.memory_space<vmem>> -> memref<1x128x128xf32, #tpu.memory_space<vmem>>
    %dma_wait3A_145 = tpu.memref_squeeze %dma_wait3A_144 : memref<1x128x128xf32, #tpu.memory_space<vmem>> -> memref<128x128xf32, #tpu.memory_space<vmem>>
    tpu.wait_dma2 semaphore(%dma_wait3A_139 : memref<!tpu.dma_semaphore, #tpu.memory_space<semaphore_mem>>) src(%dma_wait3A_145 : memref<128x128xf32, #tpu.memory_space<vmem>>) dst(%dma_wait3A_141 : memref<128x128xf32, #tpu.memory_space<hbm>>)
    %dma_start3A_146 = arith.constant 0 : i32
    %dma_start3A_147 = arith.constant 0 : i32
    %dma_start3A_148 = arith.constant 0 : i32
    %dma_start3A_149 = arith.constant 0 : i32
    %dma_start3A_150 = tpu.memref_slice %arg6[%dma_start3A_146, %dma_start3A_148, %dma_start3A_149] : memref<5x128x128xf32, #tpu.memory_space<vmem>> -> memref<1x128x128xf32, #tpu.memory_space<vmem>>
    %dma_start3A_151 = tpu.memref_squeeze %dma_start3A_150 : memref<1x128x128xf32, #tpu.memory_space<vmem>> -> memref<128x128xf32, #tpu.memory_space<vmem>>
    %dma_start3A_152 = arith.constant 640 : i32
    %dma_start3A_153 = tpu.memref_slice %arg5[%dma_start3A_152] : memref<6400xi32, #tpu.memory_space<vmem>> -> memref<128xi32, #tpu.memory_space<vmem>>
    %dma_start3A_154 = arith.constant 0 : i32
    %dma_start3A_155 = arith.constant 0 : i32
    %dma_start3A_156 = tpu.memref_slice %arg3[%dma_start3A_154, %dma_start3A_155] : memref<100000x128xf32, #tpu.memory_space<hbm>> -> memref<100000x128xf32, #tpu.memory_space<hbm>>
    %dma_start3A_157 = tpu.memref_slice %arg7[%dma_start3A_147] : memref<5x!tpu.dma_semaphore, #tpu.memory_space<semaphore_mem>> -> memref<1x!tpu.dma_semaphore, #tpu.memory_space<semaphore_mem>>
    %dma_start3A_158 = tpu.memref_squeeze %dma_start3A_157 : memref<1x!tpu.dma_semaphore, #tpu.memory_space<semaphore_mem>> -> memref<!tpu.dma_semaphore, #tpu.memory_space<semaphore_mem>>
    tpu.enqueue_indirect_dma source(%dma_start3A_156 : memref<100000x128xf32, #tpu.memory_space<hbm>>) target(%dma_start3A_151 : memref<128x128xf32, #tpu.memory_space<vmem>>) offsets(%dma_start3A_153 : memref<128xi32, #tpu.memory_space<vmem>>) semaphore(%dma_start3A_158 : memref<!tpu.dma_semaphore, #tpu.memory_space<semaphore_mem>>)
    %dma_wait3A_159 = arith.constant 2 : i32
    %dma_wait3A_160 = arith.constant 2 : i32
    %dma_wait3A_161 = arith.constant 0 : i32
    %dma_wait3A_162 = arith.constant 0 : i32
    %dma_wait3A_163 = tpu.memref_slice %arg6[%dma_wait3A_159, %dma_wait3A_161, %dma_wait3A_162] : memref<5x128x128xf32, #tpu.memory_space<vmem>> -> memref<1x128x128xf32, #tpu.memory_space<vmem>>
    %dma_wait3A_164 = tpu.memref_squeeze %dma_wait3A_163 : memref<1x128x128xf32, #tpu.memory_space<vmem>> -> memref<128x128xf32, #tpu.memory_space<vmem>>
    %dma_wait3A_165 = arith.constant 256 : i32
    %dma_wait3A_166 = tpu.memref_slice %arg5[%dma_wait3A_165] : memref<6400xi32, #tpu.memory_space<vmem>> -> memref<128xi32, #tpu.memory_space<vmem>>
    %dma_wait3A_167 = arith.constant 0 : i32
    %dma_wait3A_168 = arith.constant 0 : i32
    %dma_wait3A_169 = tpu.memref_slice %arg3[%dma_wait3A_167, %dma_wait3A_168] : memref<100000x128xf32, #tpu.memory_space<hbm>> -> memref<100000x128xf32, #tpu.memory_space<hbm>>
    %dma_wait3A_170 = tpu.memref_slice %arg7[%dma_wait3A_160] : memref<5x!tpu.dma_semaphore, #tpu.memory_space<semaphore_mem>> -> memref<1x!tpu.dma_semaphore, #tpu.memory_space<semaphore_mem>>
    %dma_wait3A_171 = tpu.memref_squeeze %dma_wait3A_170 : memref<1x!tpu.dma_semaphore, #tpu.memory_space<semaphore_mem>> -> memref<!tpu.dma_semaphore, #tpu.memory_space<semaphore_mem>>
    tpu.wait_indirect_dma semaphore(%dma_wait3A_171 : memref<!tpu.dma_semaphore, #tpu.memory_space<semaphore_mem>>) src(%dma_wait3A_169 : memref<100000x128xf32, #tpu.memory_space<hbm>>) dst(%dma_wait3A_164 : memref<128x128xf32, #tpu.memory_space<vmem>>)
    %add3A_172 = arith.constant 256 : i32
    %add3A_173 = arith.addi %mul3A_2, %add3A_172 : i32
    %dma_start3A_174 = arith.constant 2 : i32
    %dma_start3A_175 = arith.constant 2 : i32
    %dma_start3A_176 = arith.constant 0 : i32
    %dma_start3A_177 = arith.constant 0 : i32
    %dma_start3A_178 = tpu.memref_slice %arg6[%dma_start3A_174, %dma_start3A_176, %dma_start3A_177] : memref<5x128x128xf32, #tpu.memory_space<vmem>> -> memref<1x128x128xf32, #tpu.memory_space<vmem>>
    %dma_start3A_179 = tpu.memref_squeeze %dma_start3A_178 : memref<1x128x128xf32, #tpu.memory_space<vmem>> -> memref<128x128xf32, #tpu.memory_space<vmem>>
    %dma_start3A_180 = arith.constant 0 : i32
    %dma_start3A_181 = tpu.memref_slice %arg4[%add3A_173, %dma_start3A_180] : memref<204800x128xf32, #tpu.memory_space<hbm>> -> memref<128x128xf32, #tpu.memory_space<hbm>>
    %dma_start3A_182 = tpu.memref_slice %arg8[%dma_start3A_175] : memref<5x!tpu.dma_semaphore, #tpu.memory_space<semaphore_mem>> -> memref<1x!tpu.dma_semaphore, #tpu.memory_space<semaphore_mem>>
    %dma_start3A_183 = tpu.memref_squeeze %dma_start3A_182 : memref<1x!tpu.dma_semaphore, #tpu.memory_space<semaphore_mem>> -> memref<!tpu.dma_semaphore, #tpu.memory_space<semaphore_mem>>
    %dma_start3A_184 = arith.constant 0 : i32
    %dma_start3A_185 = tpu.memref_slice %arg4[%add3A_173, %dma_start3A_184] : memref<204800x128xf32, #tpu.memory_space<hbm>> -> memref<128x128xf32, #tpu.memory_space<hbm>>
    %dma_start3A_186 = arith.constant 0 : i32
    %dma_start3A_187 = arith.constant 0 : i32
    %dma_start3A_188 = tpu.memref_slice %arg6[%dma_start3A_174, %dma_start3A_186, %dma_start3A_187] : memref<5x128x128xf32, #tpu.memory_space<vmem>> -> memref<1x128x128xf32, #tpu.memory_space<vmem>>
    %dma_start3A_189 = tpu.memref_squeeze %dma_start3A_188 : memref<1x128x128xf32, #tpu.memory_space<vmem>> -> memref<128x128xf32, #tpu.memory_space<vmem>>
    tpu.enqueue_dma source(%dma_start3A_189 : memref<128x128xf32, #tpu.memory_space<vmem>>) target(%dma_start3A_185 : memref<128x128xf32, #tpu.memory_space<hbm>>) target_semaphore(%dma_start3A_183 : memref<!tpu.dma_semaphore, #tpu.memory_space<semaphore_mem>>)
    %add3A_190 = arith.constant 128 : i32
    %add3A_191 = arith.addi %mul3A_2, %add3A_190 : i32
    %dma_wait3A_192 = arith.constant 1 : i32
    %dma_wait3A_193 = arith.constant 1 : i32
    %dma_wait3A_194 = arith.constant 0 : i32
    %dma_wait3A_195 = arith.constant 0 : i32
    %dma_wait3A_196 = tpu.memref_slice %arg6[%dma_wait3A_192, %dma_wait3A_194, %dma_wait3A_195] : memref<5x128x128xf32, #tpu.memory_space<vmem>> -> memref<1x128x128xf32, #tpu.memory_space<vmem>>
    %dma_wait3A_197 = tpu.memref_squeeze %dma_wait3A_196 : memref<1x128x128xf32, #tpu.memory_space<vmem>> -> memref<128x128xf32, #tpu.memory_space<vmem>>
    %dma_wait3A_198 = arith.constant 0 : i32
    %dma_wait3A_199 = tpu.memref_slice %arg4[%add3A_191, %dma_wait3A_198] : memref<204800x128xf32, #tpu.memory_space<hbm>> -> memref<128x128xf32, #tpu.memory_space<hbm>>
    %dma_wait3A_200 = tpu.memref_slice %arg8[%dma_wait3A_193] : memref<5x!tpu.dma_semaphore, #tpu.memory_space<semaphore_mem>> -> memref<1x!tpu.dma_semaphore, #tpu.memory_space<semaphore_mem>>
    %dma_wait3A_201 = tpu.memref_squeeze %dma_wait3A_200 : memref<1x!tpu.dma_semaphore, #tpu.memory_space<semaphore_mem>> -> memref<!tpu.dma_semaphore, #tpu.memory_space<semaphore_mem>>
    %dma_wait3A_202 = arith.constant 0 : i32
    %dma_wait3A_203 = tpu.memref_slice %arg4[%add3A_191, %dma_wait3A_202] : memref<204800x128xf32, #tpu.memory_space<hbm>> -> memref<128x128xf32, #tpu.memory_space<hbm>>
    %dma_wait3A_204 = arith.constant 0 : i32
    %dma_wait3A_205 = arith.constant 0 : i32
    %dma_wait3A_206 = tpu.memref_slice %arg6[%dma_wait3A_192, %dma_wait3A_204, %dma_wait3A_205] : memref<5x128x128xf32, #tpu.memory_space<vmem>> -> memref<1x128x128xf32, #tpu.memory_space<vmem>>
    %dma_wait3A_207 = tpu.memref_squeeze %dma_wait3A_206 : memref<1x128x128xf32, #tpu.memory_space<vmem>> -> memref<128x128xf32, #tpu.memory_space<vmem>>
    tpu.wait_dma2 semaphore(%dma_wait3A_201 : memref<!tpu.dma_semaphore, #tpu.memory_space<semaphore_mem>>) src(%dma_wait3A_207 : memref<128x128xf32, #tpu.memory_space<vmem>>) dst(%dma_wait3A_203 : memref<128x128xf32, #tpu.memory_space<hbm>>)
    %dma_start3A_208 = arith.constant 1 : i32
    %dma_start3A_209 = arith.constant 1 : i32
    %dma_start3A_210 = arith.constant 0 : i32
    %dma_start3A_211 = arith.constant 0 : i32
    %dma_start3A_212 = tpu.memref_slice %arg6[%dma_start3A_208, %dma_start3A_210, %dma_start3A_211] : memref<5x128x128xf32, #tpu.memory_space<vmem>> -> memref<1x128x128xf32, #tpu.memory_space<vmem>>
    %dma_start3A_213 = tpu.memref_squeeze %dma_start3A_212 : memref<1x128x128xf32, #tpu.memory_space<vmem>> -> memref<128x128xf32, #tpu.memory_space<vmem>>
    %dma_start3A_214 = arith.constant 768 : i32
    %dma_start3A_215 = tpu.memref_slice %arg5[%dma_start3A_214] : memref<6400xi32, #tpu.memory_space<vmem>> -> memref<128xi32, #tpu.memory_space<vmem>>
    %dma_start3A_216 = arith.constant 0 : i32
    %dma_start3A_217 = arith.constant 0 : i32
    %dma_start3A_218 = tpu.memref_slice %arg3[%dma_start3A_216, %dma_start3A_217] : memref<100000x128xf32, #tpu.memory_space<hbm>> -> memref<100000x128xf32, #tpu.memory_space<hbm>>
    %dma_start3A_219 = tpu.memref_slice %arg7[%dma_start3A_209] : memref<5x!tpu.dma_semaphore, #tpu.memory_space<semaphore_mem>> -> memref<1x!tpu.dma_semaphore, #tpu.memory_space<semaphore_mem>>
    %dma_start3A_220 = tpu.memref_squeeze %dma_start3A_219 : memref<1x!tpu.dma_semaphore, #tpu.memory_space<semaphore_mem>> -> memref<!tpu.dma_semaphore, #tpu.memory_space<semaphore_mem>>
    tpu.enqueue_indirect_dma source(%dma_start3A_218 : memref<100000x128xf32, #tpu.memory_space<hbm>>) target(%dma_start3A_213 : memref<128x128xf32, #tpu.memory_space<vmem>>) offsets(%dma_start3A_215 : memref<128xi32, #tpu.memory_space<vmem>>) semaphore(%dma_start3A_220 : memref<!tpu.dma_semaphore, #tpu.memory_space<semaphore_mem>>)
    %dma_wait3A_221 = arith.constant 3 : i32
    %dma_wait3A_222 = arith.constant 3 : i32
    %dma_wait3A_223 = arith.constant 0 : i32
    %dma_wait3A_224 = arith.constant 0 : i32
    %dma_wait3A_225 = tpu.memref_slice %arg6[%dma_wait3A_221, %dma_wait3A_223, %dma_wait3A_224] : memref<5x128x128xf32, #tpu.memory_space<vmem>> -> memref<1x128x128xf32, #tpu.memory_space<vmem>>
    %dma_wait3A_226 = tpu.memref_squeeze %dma_wait3A_225 : memref<1x128x128xf32, #tpu.memory_space<vmem>> -> memref<128x128xf32, #tpu.memory_space<vmem>>
    %dma_wait3A_227 = arith.constant 384 : i32
    %dma_wait3A_228 = tpu.memref_slice %arg5[%dma_wait3A_227] : memref<6400xi32, #tpu.memory_space<vmem>> -> memref<128xi32, #tpu.memory_space<vmem>>
    %dma_wait3A_229 = arith.constant 0 : i32
    %dma_wait3A_230 = arith.constant 0 : i32
    %dma_wait3A_231 = tpu.memref_slice %arg3[%dma_wait3A_229, %dma_wait3A_230] : memref<100000x128xf32, #tpu.memory_space<hbm>> -> memref<100000x128xf32, #tpu.memory_space<hbm>>
    %dma_wait3A_232 = tpu.memref_slice %arg7[%dma_wait3A_222] : memref<5x!tpu.dma_semaphore, #tpu.memory_space<semaphore_mem>> -> memref<1x!tpu.dma_semaphore, #tpu.memory_space<semaphore_mem>>
    %dma_wait3A_233 = tpu.memref_squeeze %dma_wait3A_232 : memref<1x!tpu.dma_semaphore, #tpu.memory_space<semaphore_mem>> -> memref<!tpu.dma_semaphore, #tpu.memory_space<semaphore_mem>>
    tpu.wait_indirect_dma semaphore(%dma_wait3A_233 : memref<!tpu.dma_semaphore, #tpu.memory_space<semaphore_mem>>) src(%dma_wait3A_231 : memref<100000x128xf32, #tpu.memory_space<hbm>>) dst(%dma_wait3A_226 : memref<128x128xf32, #tpu.memory_space<vmem>>)
    %add3A_234 = arith.constant 384 : i32
    %add3A_235 = arith.addi %mul3A_2, %add3A_234 : i32
    %dma_start3A_236 = arith.constant 3 : i32
    %dma_start3A_237 = arith.constant 3 : i32
    %dma_start3A_238 = arith.constant 0 : i32
    %dma_start3A_239 = arith.constant 0 : i32
    %dma_start3A_240 = tpu.memref_slice %arg6[%dma_start3A_236, %dma_start3A_238, %dma_start3A_239] : memref<5x128x128xf32, #tpu.memory_space<vmem>> -> memref<1x128x128xf32, #tpu.memory_space<vmem>>
    %dma_start3A_241 = tpu.memref_squeeze %dma_start3A_240 : memref<1x128x128xf32, #tpu.memory_space<vmem>> -> memref<128x128xf32, #tpu.memory_space<vmem>>
    %dma_start3A_242 = arith.constant 0 : i32
    %dma_start3A_243 = tpu.memref_slice %arg4[%add3A_235, %dma_start3A_242] : memref<204800x128xf32, #tpu.memory_space<hbm>> -> memref<128x128xf32, #tpu.memory_space<hbm>>
    %dma_start3A_244 = tpu.memref_slice %arg8[%dma_start3A_237] : memref<5x!tpu.dma_semaphore, #tpu.memory_space<semaphore_mem>> -> memref<1x!tpu.dma_semaphore, #tpu.memory_space<semaphore_mem>>
    %dma_start3A_245 = tpu.memref_squeeze %dma_start3A_244 : memref<1x!tpu.dma_semaphore, #tpu.memory_space<semaphore_mem>> -> memref<!tpu.dma_semaphore, #tpu.memory_space<semaphore_mem>>
    %dma_start3A_246 = arith.constant 0 : i32
    %dma_start3A_247 = tpu.memref_slice %arg4[%add3A_235, %dma_start3A_246] : memref<204800x128xf32, #tpu.memory_space<hbm>> -> memref<128x128xf32, #tpu.memory_space<hbm>>
    %dma_start3A_248 = arith.constant 0 : i32
    %dma_start3A_249 = arith.constant 0 : i32
    %dma_start3A_250 = tpu.memref_slice %arg6[%dma_start3A_236, %dma_start3A_248, %dma_start3A_249] : memref<5x128x128xf32, #tpu.memory_space<vmem>> -> memref<1x128x128xf32, #tpu.memory_space<vmem>>
    %dma_start3A_251 = tpu.memref_squeeze %dma_start3A_250 : memref<1x128x128xf32, #tpu.memory_space<vmem>> -> memref<128x128xf32, #tpu.memory_space<vmem>>
    tpu.enqueue_dma source(%dma_start3A_251 : memref<128x128xf32, #tpu.memory_space<vmem>>) target(%dma_start3A_247 : memref<128x128xf32, #tpu.memory_space<hbm>>) target_semaphore(%dma_start3A_245 : memref<!tpu.dma_semaphore, #tpu.memory_space<semaphore_mem>>)
    %add3A_252 = arith.constant 256 : i32
    %add3A_253 = arith.addi %mul3A_2, %add3A_252 : i32
    %dma_wait3A_254 = arith.constant 2 : i32
    %dma_wait3A_255 = arith.constant 2 : i32
    %dma_wait3A_256 = arith.constant 0 : i32
    %dma_wait3A_257 = arith.constant 0 : i32
    %dma_wait3A_258 = tpu.memref_slice %arg6[%dma_wait3A_254, %dma_wait3A_256, %dma_wait3A_257] : memref<5x128x128xf32, #tpu.memory_space<vmem>> -> memref<1x128x128xf32, #tpu.memory_space<vmem>>
    %dma_wait3A_259 = tpu.memref_squeeze %dma_wait3A_258 : memref<1x128x128xf32, #tpu.memory_space<vmem>> -> memref<128x128xf32, #tpu.memory_space<vmem>>
    %dma_wait3A_260 = arith.constant 0 : i32
    %dma_wait3A_261 = tpu.memref_slice %arg4[%add3A_253, %dma_wait3A_260] : memref<204800x128xf32, #tpu.memory_space<hbm>> -> memref<128x128xf32, #tpu.memory_space<hbm>>
    %dma_wait3A_262 = tpu.memref_slice %arg8[%dma_wait3A_255] : memref<5x!tpu.dma_semaphore, #tpu.memory_space<semaphore_mem>> -> memref<1x!tpu.dma_semaphore, #tpu.memory_space<semaphore_mem>>
    %dma_wait3A_263 = tpu.memref_squeeze %dma_wait3A_262 : memref<1x!tpu.dma_semaphore, #tpu.memory_space<semaphore_mem>> -> memref<!tpu.dma_semaphore, #tpu.memory_space<semaphore_mem>>
    %dma_wait3A_264 = arith.constant 0 : i32
    %dma_wait3A_265 = tpu.memref_slice %arg4[%add3A_253, %dma_wait3A_264] : memref<204800x128xf32, #tpu.memory_space<hbm>> -> memref<128x128xf32, #tpu.memory_space<hbm>>
    %dma_wait3A_266 = arith.constant 0 : i32
    %dma_wait3A_267 = arith.constant 0 : i32
    %dma_wait3A_268 = tpu.memref_slice %arg6[%dma_wait3A_254, %dma_wait3A_266, %dma_wait3A_267] : memref<5x128x128xf32, #tpu.memory_space<vmem>> -> memref<1x128x128xf32, #tpu.memory_space<vmem>>
    %dma_wait3A_269 = tpu.memref_squeeze %dma_wait3A_268 : memref<1x128x128xf32, #tpu.memory_space<vmem>> -> memref<128x128xf32, #tpu.memory_space<vmem>>
    tpu.wait_dma2 semaphore(%dma_wait3A_263 : memref<!tpu.dma_semaphore, #tpu.memory_space<semaphore_mem>>) src(%dma_wait3A_269 : memref<128x128xf32, #tpu.memory_space<vmem>>) dst(%dma_wait3A_265 : memref<128x128xf32, #tpu.memory_space<hbm>>)
    %dma_start3A_270 = arith.constant 2 : i32
    %dma_start3A_271 = arith.constant 2 : i32
    %dma_start3A_272 = arith.constant 0 : i32
    %dma_start3A_273 = arith.constant 0 : i32
    %dma_start3A_274 = tpu.memref_slice %arg6[%dma_start3A_270, %dma_start3A_272, %dma_start3A_273] : memref<5x128x128xf32, #tpu.memory_space<vmem>> -> memref<1x128x128xf32, #tpu.memory_space<vmem>>
    %dma_start3A_275 = tpu.memref_squeeze %dma_start3A_274 : memref<1x128x128xf32, #tpu.memory_space<vmem>> -> memref<128x128xf32, #tpu.memory_space<vmem>>
    %dma_start3A_276 = arith.constant 896 : i32
    %dma_start3A_277 = tpu.memref_slice %arg5[%dma_start3A_276] : memref<6400xi32, #tpu.memory_space<vmem>> -> memref<128xi32, #tpu.memory_space<vmem>>
    %dma_start3A_278 = arith.constant 0 : i32
    %dma_start3A_279 = arith.constant 0 : i32
    %dma_start3A_280 = tpu.memref_slice %arg3[%dma_start3A_278, %dma_start3A_279] : memref<100000x128xf32, #tpu.memory_space<hbm>> -> memref<100000x128xf32, #tpu.memory_space<hbm>>
    %dma_start3A_281 = tpu.memref_slice %arg7[%dma_start3A_271] : memref<5x!tpu.dma_semaphore, #tpu.memory_space<semaphore_mem>> -> memref<1x!tpu.dma_semaphore, #tpu.memory_space<semaphore_mem>>
    %dma_start3A_282 = tpu.memref_squeeze %dma_start3A_281 : memref<1x!tpu.dma_semaphore, #tpu.memory_space<semaphore_mem>> -> memref<!tpu.dma_semaphore, #tpu.memory_space<semaphore_mem>>
    tpu.enqueue_indirect_dma source(%dma_start3A_280 : memref<100000x128xf32, #tpu.memory_space<hbm>>) target(%dma_start3A_275 : memref<128x128xf32, #tpu.memory_space<vmem>>) offsets(%dma_start3A_277 : memref<128xi32, #tpu.memory_space<vmem>>) semaphore(%dma_start3A_282 : memref<!tpu.dma_semaphore, #tpu.memory_space<semaphore_mem>>)
    %dma_wait3A_283 = arith.constant 4 : i32
    %dma_wait3A_284 = arith.constant 4 : i32
    %dma_wait3A_285 = arith.constant 0 : i32
    %dma_wait3A_286 = arith.constant 0 : i32
    %dma_wait3A_287 = tpu.memref_slice %arg6[%dma_wait3A_283, %dma_wait3A_285, %dma_wait3A_286] : memref<5x128x128xf32, #tpu.memory_space<vmem>> -> memref<1x128x128xf32, #tpu.memory_space<vmem>>
    %dma_wait3A_288 = tpu.memref_squeeze %dma_wait3A_287 : memref<1x128x128xf32, #tpu.memory_space<vmem>> -> memref<128x128xf32, #tpu.memory_space<vmem>>
    %dma_wait3A_289 = arith.constant 512 : i32
    %dma_wait3A_290 = tpu.memref_slice %arg5[%dma_wait3A_289] : memref<6400xi32, #tpu.memory_space<vmem>> -> memref<128xi32, #tpu.memory_space<vmem>>
    %dma_wait3A_291 = arith.constant 0 : i32
    %dma_wait3A_292 = arith.constant 0 : i32
    %dma_wait3A_293 = tpu.memref_slice %arg3[%dma_wait3A_291, %dma_wait3A_292] : memref<100000x128xf32, #tpu.memory_space<hbm>> -> memref<100000x128xf32, #tpu.memory_space<hbm>>
    %dma_wait3A_294 = tpu.memref_slice %arg7[%dma_wait3A_284] : memref<5x!tpu.dma_semaphore, #tpu.memory_space<semaphore_mem>> -> memref<1x!tpu.dma_semaphore, #tpu.memory_space<semaphore_mem>>
    %dma_wait3A_295 = tpu.memref_squeeze %dma_wait3A_294 : memref<1x!tpu.dma_semaphore, #tpu.memory_space<semaphore_mem>> -> memref<!tpu.dma_semaphore, #tpu.memory_space<semaphore_mem>>
    tpu.wait_indirect_dma semaphore(%dma_wait3A_295 : memref<!tpu.dma_semaphore, #tpu.memory_space<semaphore_mem>>) src(%dma_wait3A_293 : memref<100000x128xf32, #tpu.memory_space<hbm>>) dst(%dma_wait3A_288 : memref<128x128xf32, #tpu.memory_space<vmem>>)
    %add3A_296 = arith.constant 512 : i32
    %add3A_297 = arith.addi %mul3A_2, %add3A_296 : i32
    %dma_start3A_298 = arith.constant 4 : i32
    %dma_start3A_299 = arith.constant 4 : i32
    %dma_start3A_300 = arith.constant 0 : i32
    %dma_start3A_301 = arith.constant 0 : i32
    %dma_start3A_302 = tpu.memref_slice %arg6[%dma_start3A_298, %dma_start3A_300, %dma_start3A_301] : memref<5x128x128xf32, #tpu.memory_space<vmem>> -> memref<1x128x128xf32, #tpu.memory_space<vmem>>
    %dma_start3A_303 = tpu.memref_squeeze %dma_start3A_302 : memref<1x128x128xf32, #tpu.memory_space<vmem>> -> memref<128x128xf32, #tpu.memory_space<vmem>>
    %dma_start3A_304 = arith.constant 0 : i32
    %dma_start3A_305 = tpu.memref_slice %arg4[%add3A_297, %dma_start3A_304] : memref<204800x128xf32, #tpu.memory_space<hbm>> -> memref<128x128xf32, #tpu.memory_space<hbm>>
    %dma_start3A_306 = tpu.memref_slice %arg8[%dma_start3A_299] : memref<5x!tpu.dma_semaphore, #tpu.memory_space<semaphore_mem>> -> memref<1x!tpu.dma_semaphore, #tpu.memory_space<semaphore_mem>>
    %dma_start3A_307 = tpu.memref_squeeze %dma_start3A_306 : memref<1x!tpu.dma_semaphore, #tpu.memory_space<semaphore_mem>> -> memref<!tpu.dma_semaphore, #tpu.memory_space<semaphore_mem>>
    %dma_start3A_308 = arith.constant 0 : i32
    %dma_start3A_309 = tpu.memref_slice %arg4[%add3A_297, %dma_start3A_308] : memref<204800x128xf32, #tpu.memory_space<hbm>> -> memref<128x128xf32, #tpu.memory_space<hbm>>
    %dma_start3A_310 = arith.constant 0 : i32
    %dma_start3A_311 = arith.constant 0 : i32
    %dma_start3A_312 = tpu.memref_slice %arg6[%dma_start3A_298, %dma_start3A_310, %dma_start3A_311] : memref<5x128x128xf32, #tpu.memory_space<vmem>> -> memref<1x128x128xf32, #tpu.memory_space<vmem>>
    %dma_start3A_313 = tpu.memref_squeeze %dma_start3A_312 : memref<1x128x128xf32, #tpu.memory_space<vmem>> -> memref<128x128xf32, #tpu.memory_space<vmem>>
    tpu.enqueue_dma source(%dma_start3A_313 : memref<128x128xf32, #tpu.memory_space<vmem>>) target(%dma_start3A_309 : memref<128x128xf32, #tpu.memory_space<hbm>>) target_semaphore(%dma_start3A_307 : memref<!tpu.dma_semaphore, #tpu.memory_space<semaphore_mem>>)
    %scan3A = arith.constant 0 : i32
    %scan3A_314 = arith.constant 1 : i32
    %scan3A_315 = arith.constant 8 : i32
    %scan3A_316 = arith.addi %scan3A_314, %scan3A_315 : i32
    %scan3A_317 = arith.constant 1 : i32
    scf.for %scan3A_626 = %scan3A_314 to %scan3A_316 step %scan3A_317  : i32 {
      %mul3A_627 = arith.constant 5 : i32
      %mul3A_628 = arith.muli %scan3A_626, %mul3A_627 : i32
      %add3A_629 = arith.constant 0 : i32
      %add3A_630 = arith.addi %mul3A_628, %add3A_629 : i32
      %add3A_631 = arith.constant 3 : i32
      %add3A_632 = arith.addi %add3A_630, %add3A_631 : i32
      %sub3A = arith.constant 5 : i32
      %sub3A_633 = arith.subi %add3A_632, %sub3A : i32
      %mul3A_634 = arith.constant 128 : i32
      %mul3A_635 = arith.muli %sub3A_633, %mul3A_634 : i32
      %add3A_636 = arith.addi %mul3A_2, %mul3A_635 : i32
      %dma_wait3A_637 = arith.constant 3 : i32
      %dma_wait3A_638 = arith.constant 3 : i32
      %dma_wait3A_639 = arith.constant 0 : i32
      %dma_wait3A_640 = arith.constant 0 : i32
      %dma_wait3A_641 = tpu.memref_slice %arg6[%dma_wait3A_637, %dma_wait3A_639, %dma_wait3A_640] : memref<5x128x128xf32, #tpu.memory_space<vmem>> -> memref<1x128x128xf32, #tpu.memory_space<vmem>>
      %dma_wait3A_642 = tpu.memref_squeeze %dma_wait3A_641 : memref<1x128x128xf32, #tpu.memory_space<vmem>> -> memref<128x128xf32, #tpu.memory_space<vmem>>
      %dma_wait3A_643 = arith.constant 0 : i32
      %dma_wait3A_644 = tpu.memref_slice %arg4[%add3A_636, %dma_wait3A_643] : memref<204800x128xf32, #tpu.memory_space<hbm>> -> memref<128x128xf32, #tpu.memory_space<hbm>>
      %dma_wait3A_645 = tpu.memref_slice %arg8[%dma_wait3A_638] : memref<5x!tpu.dma_semaphore, #tpu.memory_space<semaphore_mem>> -> memref<1x!tpu.dma_semaphore, #tpu.memory_space<semaphore_mem>>
      %dma_wait3A_646 = tpu.memref_squeeze %dma_wait3A_645 : memref<1x!tpu.dma_semaphore, #tpu.memory_space<semaphore_mem>> -> memref<!tpu.dma_semaphore, #tpu.memory_space<semaphore_mem>>
      %dma_wait3A_647 = arith.constant 0 : i32
      %dma_wait3A_648 = tpu.memref_slice %arg4[%add3A_636, %dma_wait3A_647] : memref<204800x128xf32, #tpu.memory_space<hbm>> -> memref<128x128xf32, #tpu.memory_space<hbm>>
      %dma_wait3A_649 = arith.constant 0 : i32
      %dma_wait3A_650 = arith.constant 0 : i32
      %dma_wait3A_651 = tpu.memref_slice %arg6[%dma_wait3A_637, %dma_wait3A_649, %dma_wait3A_650] : memref<5x128x128xf32, #tpu.memory_space<vmem>> -> memref<1x128x128xf32, #tpu.memory_space<vmem>>
      %dma_wait3A_652 = tpu.memref_squeeze %dma_wait3A_651 : memref<1x128x128xf32, #tpu.memory_space<vmem>> -> memref<128x128xf32, #tpu.memory_space<vmem>>
      tpu.wait_dma2 semaphore(%dma_wait3A_646 : memref<!tpu.dma_semaphore, #tpu.memory_space<semaphore_mem>>) src(%dma_wait3A_652 : memref<128x128xf32, #tpu.memory_space<vmem>>) dst(%dma_wait3A_648 : memref<128x128xf32, #tpu.memory_space<hbm>>)
      %add3A_653 = arith.constant 3 : i32
      %add3A_654 = arith.addi %add3A_630, %add3A_653 : i32
      %mul3A_655 = arith.constant 128 : i32
      %mul3A_656 = arith.muli %add3A_654, %mul3A_655 : i32
      %dma_start3A_657 = arith.constant 3 : i32
      %dma_start3A_658 = arith.constant 3 : i32
      %dma_start3A_659 = arith.constant 0 : i32
      %dma_start3A_660 = arith.constant 0 : i32
      %dma_start3A_661 = tpu.memref_slice %arg6[%dma_start3A_657, %dma_start3A_659, %dma_start3A_660] : memref<5x128x128xf32, #tpu.memory_space<vmem>> -> memref<1x128x128xf32, #tpu.memory_space<vmem>>
      %dma_start3A_662 = tpu.memref_squeeze %dma_start3A_661 : memref<1x128x128xf32, #tpu.memory_space<vmem>> -> memref<128x128xf32, #tpu.memory_space<vmem>>
      %dma_start3A_663 = tpu.memref_slice %arg5[%mul3A_656] : memref<6400xi32, #tpu.memory_space<vmem>> -> memref<128xi32, #tpu.memory_space<vmem>>
      %dma_start3A_664 = arith.constant 0 : i32
      %dma_start3A_665 = arith.constant 0 : i32
      %dma_start3A_666 = tpu.memref_slice %arg3[%dma_start3A_664, %dma_start3A_665] : memref<100000x128xf32, #tpu.memory_space<hbm>> -> memref<100000x128xf32, #tpu.memory_space<hbm>>
      %dma_start3A_667 = tpu.memref_slice %arg7[%dma_start3A_658] : memref<5x!tpu.dma_semaphore, #tpu.memory_space<semaphore_mem>> -> memref<1x!tpu.dma_semaphore, #tpu.memory_space<semaphore_mem>>
      %dma_start3A_668 = tpu.memref_squeeze %dma_start3A_667 : memref<1x!tpu.dma_semaphore, #tpu.memory_space<semaphore_mem>> -> memref<!tpu.dma_semaphore, #tpu.memory_space<semaphore_mem>>
      tpu.enqueue_indirect_dma source(%dma_start3A_666 : memref<100000x128xf32, #tpu.memory_space<hbm>>) target(%dma_start3A_662 : memref<128x128xf32, #tpu.memory_space<vmem>>) offsets(%dma_start3A_663 : memref<128xi32, #tpu.memory_space<vmem>>) semaphore(%dma_start3A_668 : memref<!tpu.dma_semaphore, #tpu.memory_space<semaphore_mem>>)
      %mul3A_669 = arith.constant 128 : i32
      %mul3A_670 = arith.muli %add3A_630, %mul3A_669 : i32
      %dma_wait3A_671 = arith.constant 0 : i32
      %dma_wait3A_672 = arith.constant 0 : i32
      %dma_wait3A_673 = arith.constant 0 : i32
      %dma_wait3A_674 = arith.constant 0 : i32
      %dma_wait3A_675 = tpu.memref_slice %arg6[%dma_wait3A_671, %dma_wait3A_673, %dma_wait3A_674] : memref<5x128x128xf32, #tpu.memory_space<vmem>> -> memref<1x128x128xf32, #tpu.memory_space<vmem>>
      %dma_wait3A_676 = tpu.memref_squeeze %dma_wait3A_675 : memref<1x128x128xf32, #tpu.memory_space<vmem>> -> memref<128x128xf32, #tpu.memory_space<vmem>>
      %dma_wait3A_677 = tpu.memref_slice %arg5[%mul3A_670] : memref<6400xi32, #tpu.memory_space<vmem>> -> memref<128xi32, #tpu.memory_space<vmem>>
      %dma_wait3A_678 = arith.constant 0 : i32
      %dma_wait3A_679 = arith.constant 0 : i32
      %dma_wait3A_680 = tpu.memref_slice %arg3[%dma_wait3A_678, %dma_wait3A_679] : memref<100000x128xf32, #tpu.memory_space<hbm>> -> memref<100000x128xf32, #tpu.memory_space<hbm>>
      %dma_wait3A_681 = tpu.memref_slice %arg7[%dma_wait3A_672] : memref<5x!tpu.dma_semaphore, #tpu.memory_space<semaphore_mem>> -> memref<1x!tpu.dma_semaphore, #tpu.memory_space<semaphore_mem>>
      %dma_wait3A_682 = tpu.memref_squeeze %dma_wait3A_681 : memref<1x!tpu.dma_semaphore, #tpu.memory_space<semaphore_mem>> -> memref<!tpu.dma_semaphore, #tpu.memory_space<semaphore_mem>>
      tpu.wait_indirect_dma semaphore(%dma_wait3A_682 : memref<!tpu.dma_semaphore, #tpu.memory_space<semaphore_mem>>) src(%dma_wait3A_680 : memref<100000x128xf32, #tpu.memory_space<hbm>>) dst(%dma_wait3A_676 : memref<128x128xf32, #tpu.memory_space<vmem>>)
      %mul3A_683 = arith.constant 128 : i32
      %mul3A_684 = arith.muli %add3A_630, %mul3A_683 : i32
      %add3A_685 = arith.addi %mul3A_2, %mul3A_684 : i32
      %dma_start3A_686 = arith.constant 0 : i32
      %dma_start3A_687 = arith.constant 0 : i32
      %dma_start3A_688 = arith.constant 0 : i32
      %dma_start3A_689 = arith.constant 0 : i32
      %dma_start3A_690 = tpu.memref_slice %arg6[%dma_start3A_686, %dma_start3A_688, %dma_start3A_689] : memref<5x128x128xf32, #tpu.memory_space<vmem>> -> memref<1x128x128xf32, #tpu.memory_space<vmem>>
      %dma_start3A_691 = tpu.memref_squeeze %dma_start3A_690 : memref<1x128x128xf32, #tpu.memory_space<vmem>> -> memref<128x128xf32, #tpu.memory_space<vmem>>
      %dma_start3A_692 = arith.constant 0 : i32
      %dma_start3A_693 = tpu.memref_slice %arg4[%add3A_685, %dma_start3A_692] : memref<204800x128xf32, #tpu.memory_space<hbm>> -> memref<128x128xf32, #tpu.memory_space<hbm>>
      %dma_start3A_694 = tpu.memref_slice %arg8[%dma_start3A_687] : memref<5x!tpu.dma_semaphore, #tpu.memory_space<semaphore_mem>> -> memref<1x!tpu.dma_semaphore, #tpu.memory_space<semaphore_mem>>
      %dma_start3A_695 = tpu.memref_squeeze %dma_start3A_694 : memref<1x!tpu.dma_semaphore, #tpu.memory_space<semaphore_mem>> -> memref<!tpu.dma_semaphore, #tpu.memory_space<semaphore_mem>>
      %dma_start3A_696 = arith.constant 0 : i32
      %dma_start3A_697 = tpu.memref_slice %arg4[%add3A_685, %dma_start3A_696] : memref<204800x128xf32, #tpu.memory_space<hbm>> -> memref<128x128xf32, #tpu.memory_space<hbm>>
      %dma_start3A_698 = arith.constant 0 : i32
      %dma_start3A_699 = arith.constant 0 : i32
      %dma_start3A_700 = tpu.memref_slice %arg6[%dma_start3A_686, %dma_start3A_698, %dma_start3A_699] : memref<5x128x128xf32, #tpu.memory_space<vmem>> -> memref<1x128x128xf32, #tpu.memory_space<vmem>>
      %dma_start3A_701 = tpu.memref_squeeze %dma_start3A_700 : memref<1x128x128xf32, #tpu.memory_space<vmem>> -> memref<128x128xf32, #tpu.memory_space<vmem>>
      tpu.enqueue_dma source(%dma_start3A_701 : memref<128x128xf32, #tpu.memory_space<vmem>>) target(%dma_start3A_697 : memref<128x128xf32, #tpu.memory_space<hbm>>) target_semaphore(%dma_start3A_695 : memref<!tpu.dma_semaphore, #tpu.memory_space<semaphore_mem>>)
      %mul3A_702 = arith.constant 5 : i32
      %mul3A_703 = arith.muli %scan3A_626, %mul3A_702 : i32
      %add3A_704 = arith.constant 1 : i32
      %add3A_705 = arith.addi %mul3A_703, %add3A_704 : i32
      %add3A_706 = arith.constant 3 : i32
      %add3A_707 = arith.addi %add3A_705, %add3A_706 : i32
      %sub3A_708 = arith.constant 5 : i32
      %sub3A_709 = arith.subi %add3A_707, %sub3A_708 : i32
      %mul3A_710 = arith.constant 128 : i32
      %mul3A_711 = arith.muli %sub3A_709, %mul3A_710 : i32
      %add3A_712 = arith.addi %mul3A_2, %mul3A_711 : i32
      %dma_wait3A_713 = arith.constant 4 : i32
      %dma_wait3A_714 = arith.constant 4 : i32
      %dma_wait3A_715 = arith.constant 0 : i32
      %dma_wait3A_716 = arith.constant 0 : i32
      %dma_wait3A_717 = tpu.memref_slice %arg6[%dma_wait3A_713, %dma_wait3A_715, %dma_wait3A_716] : memref<5x128x128xf32, #tpu.memory_space<vmem>> -> memref<1x128x128xf32, #tpu.memory_space<vmem>>
      %dma_wait3A_718 = tpu.memref_squeeze %dma_wait3A_717 : memref<1x128x128xf32, #tpu.memory_space<vmem>> -> memref<128x128xf32, #tpu.memory_space<vmem>>
      %dma_wait3A_719 = arith.constant 0 : i32
      %dma_wait3A_720 = tpu.memref_slice %arg4[%add3A_712, %dma_wait3A_719] : memref<204800x128xf32, #tpu.memory_space<hbm>> -> memref<128x128xf32, #tpu.memory_space<hbm>>
      %dma_wait3A_721 = tpu.memref_slice %arg8[%dma_wait3A_714] : memref<5x!tpu.dma_semaphore, #tpu.memory_space<semaphore_mem>> -> memref<1x!tpu.dma_semaphore, #tpu.memory_space<semaphore_mem>>
      %dma_wait3A_722 = tpu.memref_squeeze %dma_wait3A_721 : memref<1x!tpu.dma_semaphore, #tpu.memory_space<semaphore_mem>> -> memref<!tpu.dma_semaphore, #tpu.memory_space<semaphore_mem>>
      %dma_wait3A_723 = arith.constant 0 : i32
      %dma_wait3A_724 = tpu.memref_slice %arg4[%add3A_712, %dma_wait3A_723] : memref<204800x128xf32, #tpu.memory_space<hbm>> -> memref<128x128xf32, #tpu.memory_space<hbm>>
      %dma_wait3A_725 = arith.constant 0 : i32
      %dma_wait3A_726 = arith.constant 0 : i32
      %dma_wait3A_727 = tpu.memref_slice %arg6[%dma_wait3A_713, %dma_wait3A_725, %dma_wait3A_726] : memref<5x128x128xf32, #tpu.memory_space<vmem>> -> memref<1x128x128xf32, #tpu.memory_space<vmem>>
      %dma_wait3A_728 = tpu.memref_squeeze %dma_wait3A_727 : memref<1x128x128xf32, #tpu.memory_space<vmem>> -> memref<128x128xf32, #tpu.memory_space<vmem>>
      tpu.wait_dma2 semaphore(%dma_wait3A_722 : memref<!tpu.dma_semaphore, #tpu.memory_space<semaphore_mem>>) src(%dma_wait3A_728 : memref<128x128xf32, #tpu.memory_space<vmem>>) dst(%dma_wait3A_724 : memref<128x128xf32, #tpu.memory_space<hbm>>)
      %add3A_729 = arith.constant 3 : i32
      %add3A_730 = arith.addi %add3A_705, %add3A_729 : i32
      %mul3A_731 = arith.constant 128 : i32
      %mul3A_732 = arith.muli %add3A_730, %mul3A_731 : i32
      %dma_start3A_733 = arith.constant 4 : i32
      %dma_start3A_734 = arith.constant 4 : i32
      %dma_start3A_735 = arith.constant 0 : i32
      %dma_start3A_736 = arith.constant 0 : i32
      %dma_start3A_737 = tpu.memref_slice %arg6[%dma_start3A_733, %dma_start3A_735, %dma_start3A_736] : memref<5x128x128xf32, #tpu.memory_space<vmem>> -> memref<1x128x128xf32, #tpu.memory_space<vmem>>
      %dma_start3A_738 = tpu.memref_squeeze %dma_start3A_737 : memref<1x128x128xf32, #tpu.memory_space<vmem>> -> memref<128x128xf32, #tpu.memory_space<vmem>>
      %dma_start3A_739 = tpu.memref_slice %arg5[%mul3A_732] : memref<6400xi32, #tpu.memory_space<vmem>> -> memref<128xi32, #tpu.memory_space<vmem>>
      %dma_start3A_740 = arith.constant 0 : i32
      %dma_start3A_741 = arith.constant 0 : i32
      %dma_start3A_742 = tpu.memref_slice %arg3[%dma_start3A_740, %dma_start3A_741] : memref<100000x128xf32, #tpu.memory_space<hbm>> -> memref<100000x128xf32, #tpu.memory_space<hbm>>
      %dma_start3A_743 = tpu.memref_slice %arg7[%dma_start3A_734] : memref<5x!tpu.dma_semaphore, #tpu.memory_space<semaphore_mem>> -> memref<1x!tpu.dma_semaphore, #tpu.memory_space<semaphore_mem>>
      %dma_start3A_744 = tpu.memref_squeeze %dma_start3A_743 : memref<1x!tpu.dma_semaphore, #tpu.memory_space<semaphore_mem>> -> memref<!tpu.dma_semaphore, #tpu.memory_space<semaphore_mem>>
      tpu.enqueue_indirect_dma source(%dma_start3A_742 : memref<100000x128xf32, #tpu.memory_space<hbm>>) target(%dma_start3A_738 : memref<128x128xf32, #tpu.memory_space<vmem>>) offsets(%dma_start3A_739 : memref<128xi32, #tpu.memory_space<vmem>>) semaphore(%dma_start3A_744 : memref<!tpu.dma_semaphore, #tpu.memory_space<semaphore_mem>>)
      %mul3A_745 = arith.constant 128 : i32
      %mul3A_746 = arith.muli %add3A_705, %mul3A_745 : i32
      %dma_wait3A_747 = arith.constant 1 : i32
      %dma_wait3A_748 = arith.constant 1 : i32
      %dma_wait3A_749 = arith.constant 0 : i32
      %dma_wait3A_750 = arith.constant 0 : i32
      %dma_wait3A_751 = tpu.memref_slice %arg6[%dma_wait3A_747, %dma_wait3A_749, %dma_wait3A_750] : memref<5x128x128xf32, #tpu.memory_space<vmem>> -> memref<1x128x128xf32, #tpu.memory_space<vmem>>
      %dma_wait3A_752 = tpu.memref_squeeze %dma_wait3A_751 : memref<1x128x128xf32, #tpu.memory_space<vmem>> -> memref<128x128xf32, #tpu.memory_space<vmem>>
      %dma_wait3A_753 = tpu.memref_slice %arg5[%mul3A_746] : memref<6400xi32, #tpu.memory_space<vmem>> -> memref<128xi32, #tpu.memory_space<vmem>>
      %dma_wait3A_754 = arith.constant 0 : i32
      %dma_wait3A_755 = arith.constant 0 : i32
      %dma_wait3A_756 = tpu.memref_slice %arg3[%dma_wait3A_754, %dma_wait3A_755] : memref<100000x128xf32, #tpu.memory_space<hbm>> -> memref<100000x128xf32, #tpu.memory_space<hbm>>
      %dma_wait3A_757 = tpu.memref_slice %arg7[%dma_wait3A_748] : memref<5x!tpu.dma_semaphore, #tpu.memory_space<semaphore_mem>> -> memref<1x!tpu.dma_semaphore, #tpu.memory_space<semaphore_mem>>
      %dma_wait3A_758 = tpu.memref_squeeze %dma_wait3A_757 : memref<1x!tpu.dma_semaphore, #tpu.memory_space<semaphore_mem>> -> memref<!tpu.dma_semaphore, #tpu.memory_space<semaphore_mem>>
      tpu.wait_indirect_dma semaphore(%dma_wait3A_758 : memref<!tpu.dma_semaphore, #tpu.memory_space<semaphore_mem>>) src(%dma_wait3A_756 : memref<100000x128xf32, #tpu.memory_space<hbm>>) dst(%dma_wait3A_752 : memref<128x128xf32, #tpu.memory_space<vmem>>)
      %mul3A_759 = arith.constant 128 : i32
      %mul3A_760 = arith.muli %add3A_705, %mul3A_759 : i32
      %add3A_761 = arith.addi %mul3A_2, %mul3A_760 : i32
      %dma_start3A_762 = arith.constant 1 : i32
      %dma_start3A_763 = arith.constant 1 : i32
      %dma_start3A_764 = arith.constant 0 : i32
      %dma_start3A_765 = arith.constant 0 : i32
      %dma_start3A_766 = tpu.memref_slice %arg6[%dma_start3A_762, %dma_start3A_764, %dma_start3A_765] : memref<5x128x128xf32, #tpu.memory_space<vmem>> -> memref<1x128x128xf32, #tpu.memory_space<vmem>>
      %dma_start3A_767 = tpu.memref_squeeze %dma_start3A_766 : memref<1x128x128xf32, #tpu.memory_space<vmem>> -> memref<128x128xf32, #tpu.memory_space<vmem>>
      %dma_start3A_768 = arith.constant 0 : i32
      %dma_start3A_769 = tpu.memref_slice %arg4[%add3A_761, %dma_start3A_768] : memref<204800x128xf32, #tpu.memory_space<hbm>> -> memref<128x128xf32, #tpu.memory_space<hbm>>
      %dma_start3A_770 = tpu.memref_slice %arg8[%dma_start3A_763] : memref<5x!tpu.dma_semaphore, #tpu.memory_space<semaphore_mem>> -> memref<1x!tpu.dma_semaphore, #tpu.memory_space<semaphore_mem>>
      %dma_start3A_771 = tpu.memref_squeeze %dma_start3A_770 : memref<1x!tpu.dma_semaphore, #tpu.memory_space<semaphore_mem>> -> memref<!tpu.dma_semaphore, #tpu.memory_space<semaphore_mem>>
      %dma_start3A_772 = arith.constant 0 : i32
      %dma_start3A_773 = tpu.memref_slice %arg4[%add3A_761, %dma_start3A_772] : memref<204800x128xf32, #tpu.memory_space<hbm>> -> memref<128x128xf32, #tpu.memory_space<hbm>>
      %dma_start3A_774 = arith.constant 0 : i32
      %dma_start3A_775 = arith.constant 0 : i32
      %dma_start3A_776 = tpu.memref_slice %arg6[%dma_start3A_762, %dma_start3A_774, %dma_start3A_775] : memref<5x128x128xf32, #tpu.memory_space<vmem>> -> memref<1x128x128xf32, #tpu.memory_space<vmem>>
      %dma_start3A_777 = tpu.memref_squeeze %dma_start3A_776 : memref<1x128x128xf32, #tpu.memory_space<vmem>> -> memref<128x128xf32, #tpu.memory_space<vmem>>
      tpu.enqueue_dma source(%dma_start3A_777 : memref<128x128xf32, #tpu.memory_space<vmem>>) target(%dma_start3A_773 : memref<128x128xf32, #tpu.memory_space<hbm>>) target_semaphore(%dma_start3A_771 : memref<!tpu.dma_semaphore, #tpu.memory_space<semaphore_mem>>)
      %mul3A_778 = arith.constant 5 : i32
      %mul3A_779 = arith.muli %scan3A_626, %mul3A_778 : i32
      %add3A_780 = arith.constant 2 : i32
      %add3A_781 = arith.addi %mul3A_779, %add3A_780 : i32
      %add3A_782 = arith.constant 3 : i32
      %add3A_783 = arith.addi %add3A_781, %add3A_782 : i32
      %sub3A_784 = arith.constant 5 : i32
      %sub3A_785 = arith.subi %add3A_783, %sub3A_784 : i32
      %mul3A_786 = arith.constant 128 : i32
      %mul3A_787 = arith.muli %sub3A_785, %mul3A_786 : i32
      %add3A_788 = arith.addi %mul3A_2, %mul3A_787 : i32
      %dma_wait3A_789 = arith.constant 0 : i32
      %dma_wait3A_790 = arith.constant 0 : i32
      %dma_wait3A_791 = arith.constant 0 : i32
      %dma_wait3A_792 = arith.constant 0 : i32
      %dma_wait3A_793 = tpu.memref_slice %arg6[%dma_wait3A_789, %dma_wait3A_791, %dma_wait3A_792] : memref<5x128x128xf32, #tpu.memory_space<vmem>> -> memref<1x128x128xf32, #tpu.memory_space<vmem>>
      %dma_wait3A_794 = tpu.memref_squeeze %dma_wait3A_793 : memref<1x128x128xf32, #tpu.memory_space<vmem>> -> memref<128x128xf32, #tpu.memory_space<vmem>>
      %dma_wait3A_795 = arith.constant 0 : i32
      %dma_wait3A_796 = tpu.memref_slice %arg4[%add3A_788, %dma_wait3A_795] : memref<204800x128xf32, #tpu.memory_space<hbm>> -> memref<128x128xf32, #tpu.memory_space<hbm>>
      %dma_wait3A_797 = tpu.memref_slice %arg8[%dma_wait3A_790] : memref<5x!tpu.dma_semaphore, #tpu.memory_space<semaphore_mem>> -> memref<1x!tpu.dma_semaphore, #tpu.memory_space<semaphore_mem>>
      %dma_wait3A_798 = tpu.memref_squeeze %dma_wait3A_797 : memref<1x!tpu.dma_semaphore, #tpu.memory_space<semaphore_mem>> -> memref<!tpu.dma_semaphore, #tpu.memory_space<semaphore_mem>>
      %dma_wait3A_799 = arith.constant 0 : i32
      %dma_wait3A_800 = tpu.memref_slice %arg4[%add3A_788, %dma_wait3A_799] : memref<204800x128xf32, #tpu.memory_space<hbm>> -> memref<128x128xf32, #tpu.memory_space<hbm>>
      %dma_wait3A_801 = arith.constant 0 : i32
      %dma_wait3A_802 = arith.constant 0 : i32
      %dma_wait3A_803 = tpu.memref_slice %arg6[%dma_wait3A_789, %dma_wait3A_801, %dma_wait3A_802] : memref<5x128x128xf32, #tpu.memory_space<vmem>> -> memref<1x128x128xf32, #tpu.memory_space<vmem>>
      %dma_wait3A_804 = tpu.memref_squeeze %dma_wait3A_803 : memref<1x128x128xf32, #tpu.memory_space<vmem>> -> memref<128x128xf32, #tpu.memory_space<vmem>>
      tpu.wait_dma2 semaphore(%dma_wait3A_798 : memref<!tpu.dma_semaphore, #tpu.memory_space<semaphore_mem>>) src(%dma_wait3A_804 : memref<128x128xf32, #tpu.memory_space<vmem>>) dst(%dma_wait3A_800 : memref<128x128xf32, #tpu.memory_space<hbm>>)
      %add3A_805 = arith.constant 3 : i32
      %add3A_806 = arith.addi %add3A_781, %add3A_805 : i32
      %mul3A_807 = arith.constant 128 : i32
      %mul3A_808 = arith.muli %add3A_806, %mul3A_807 : i32
      %dma_start3A_809 = arith.constant 0 : i32
      %dma_start3A_810 = arith.constant 0 : i32
      %dma_start3A_811 = arith.constant 0 : i32
      %dma_start3A_812 = arith.constant 0 : i32
      %dma_start3A_813 = tpu.memref_slice %arg6[%dma_start3A_809, %dma_start3A_811, %dma_start3A_812] : memref<5x128x128xf32, #tpu.memory_space<vmem>> -> memref<1x128x128xf32, #tpu.memory_space<vmem>>
      %dma_start3A_814 = tpu.memref_squeeze %dma_start3A_813 : memref<1x128x128xf32, #tpu.memory_space<vmem>> -> memref<128x128xf32, #tpu.memory_space<vmem>>
      %dma_start3A_815 = tpu.memref_slice %arg5[%mul3A_808] : memref<6400xi32, #tpu.memory_space<vmem>> -> memref<128xi32, #tpu.memory_space<vmem>>
      %dma_start3A_816 = arith.constant 0 : i32
      %dma_start3A_817 = arith.constant 0 : i32
      %dma_start3A_818 = tpu.memref_slice %arg3[%dma_start3A_816, %dma_start3A_817] : memref<100000x128xf32, #tpu.memory_space<hbm>> -> memref<100000x128xf32, #tpu.memory_space<hbm>>
      %dma_start3A_819 = tpu.memref_slice %arg7[%dma_start3A_810] : memref<5x!tpu.dma_semaphore, #tpu.memory_space<semaphore_mem>> -> memref<1x!tpu.dma_semaphore, #tpu.memory_space<semaphore_mem>>
      %dma_start3A_820 = tpu.memref_squeeze %dma_start3A_819 : memref<1x!tpu.dma_semaphore, #tpu.memory_space<semaphore_mem>> -> memref<!tpu.dma_semaphore, #tpu.memory_space<semaphore_mem>>
      tpu.enqueue_indirect_dma source(%dma_start3A_818 : memref<100000x128xf32, #tpu.memory_space<hbm>>) target(%dma_start3A_814 : memref<128x128xf32, #tpu.memory_space<vmem>>) offsets(%dma_start3A_815 : memref<128xi32, #tpu.memory_space<vmem>>) semaphore(%dma_start3A_820 : memref<!tpu.dma_semaphore, #tpu.memory_space<semaphore_mem>>)
      %mul3A_821 = arith.constant 128 : i32
      %mul3A_822 = arith.muli %add3A_781, %mul3A_821 : i32
      %dma_wait3A_823 = arith.constant 2 : i32
      %dma_wait3A_824 = arith.constant 2 : i32
      %dma_wait3A_825 = arith.constant 0 : i32
      %dma_wait3A_826 = arith.constant 0 : i32
      %dma_wait3A_827 = tpu.memref_slice %arg6[%dma_wait3A_823, %dma_wait3A_825, %dma_wait3A_826] : memref<5x128x128xf32, #tpu.memory_space<vmem>> -> memref<1x128x128xf32, #tpu.memory_space<vmem>>
      %dma_wait3A_828 = tpu.memref_squeeze %dma_wait3A_827 : memref<1x128x128xf32, #tpu.memory_space<vmem>> -> memref<128x128xf32, #tpu.memory_space<vmem>>
      %dma_wait3A_829 = tpu.memref_slice %arg5[%mul3A_822] : memref<6400xi32, #tpu.memory_space<vmem>> -> memref<128xi32, #tpu.memory_space<vmem>>
      %dma_wait3A_830 = arith.constant 0 : i32
      %dma_wait3A_831 = arith.constant 0 : i32
      %dma_wait3A_832 = tpu.memref_slice %arg3[%dma_wait3A_830, %dma_wait3A_831] : memref<100000x128xf32, #tpu.memory_space<hbm>> -> memref<100000x128xf32, #tpu.memory_space<hbm>>
      %dma_wait3A_833 = tpu.memref_slice %arg7[%dma_wait3A_824] : memref<5x!tpu.dma_semaphore, #tpu.memory_space<semaphore_mem>> -> memref<1x!tpu.dma_semaphore, #tpu.memory_space<semaphore_mem>>
      %dma_wait3A_834 = tpu.memref_squeeze %dma_wait3A_833 : memref<1x!tpu.dma_semaphore, #tpu.memory_space<semaphore_mem>> -> memref<!tpu.dma_semaphore, #tpu.memory_space<semaphore_mem>>
      tpu.wait_indirect_dma semaphore(%dma_wait3A_834 : memref<!tpu.dma_semaphore, #tpu.memory_space<semaphore_mem>>) src(%dma_wait3A_832 : memref<100000x128xf32, #tpu.memory_space<hbm>>) dst(%dma_wait3A_828 : memref<128x128xf32, #tpu.memory_space<vmem>>)
      %mul3A_835 = arith.constant 128 : i32
      %mul3A_836 = arith.muli %add3A_781, %mul3A_835 : i32
      %add3A_837 = arith.addi %mul3A_2, %mul3A_836 : i32
      %dma_start3A_838 = arith.constant 2 : i32
      %dma_start3A_839 = arith.constant 2 : i32
      %dma_start3A_840 = arith.constant 0 : i32
      %dma_start3A_841 = arith.constant 0 : i32
      %dma_start3A_842 = tpu.memref_slice %arg6[%dma_start3A_838, %dma_start3A_840, %dma_start3A_841] : memref<5x128x128xf32, #tpu.memory_space<vmem>> -> memref<1x128x128xf32, #tpu.memory_space<vmem>>
      %dma_start3A_843 = tpu.memref_squeeze %dma_start3A_842 : memref<1x128x128xf32, #tpu.memory_space<vmem>> -> memref<128x128xf32, #tpu.memory_space<vmem>>
      %dma_start3A_844 = arith.constant 0 : i32
      %dma_start3A_845 = tpu.memref_slice %arg4[%add3A_837, %dma_start3A_844] : memref<204800x128xf32, #tpu.memory_space<hbm>> -> memref<128x128xf32, #tpu.memory_space<hbm>>
      %dma_start3A_846 = tpu.memref_slice %arg8[%dma_start3A_839] : memref<5x!tpu.dma_semaphore, #tpu.memory_space<semaphore_mem>> -> memref<1x!tpu.dma_semaphore, #tpu.memory_space<semaphore_mem>>
      %dma_start3A_847 = tpu.memref_squeeze %dma_start3A_846 : memref<1x!tpu.dma_semaphore, #tpu.memory_space<semaphore_mem>> -> memref<!tpu.dma_semaphore, #tpu.memory_space<semaphore_mem>>
      %dma_start3A_848 = arith.constant 0 : i32
      %dma_start3A_849 = tpu.memref_slice %arg4[%add3A_837, %dma_start3A_848] : memref<204800x128xf32, #tpu.memory_space<hbm>> -> memref<128x128xf32, #tpu.memory_space<hbm>>
      %dma_start3A_850 = arith.constant 0 : i32
      %dma_start3A_851 = arith.constant 0 : i32
      %dma_start3A_852 = tpu.memref_slice %arg6[%dma_start3A_838, %dma_start3A_850, %dma_start3A_851] : memref<5x128x128xf32, #tpu.memory_space<vmem>> -> memref<1x128x128xf32, #tpu.memory_space<vmem>>
      %dma_start3A_853 = tpu.memref_squeeze %dma_start3A_852 : memref<1x128x128xf32, #tpu.memory_space<vmem>> -> memref<128x128xf32, #tpu.memory_space<vmem>>
      tpu.enqueue_dma source(%dma_start3A_853 : memref<128x128xf32, #tpu.memory_space<vmem>>) target(%dma_start3A_849 : memref<128x128xf32, #tpu.memory_space<hbm>>) target_semaphore(%dma_start3A_847 : memref<!tpu.dma_semaphore, #tpu.memory_space<semaphore_mem>>)
      %mul3A_854 = arith.constant 5 : i32
      %mul3A_855 = arith.muli %scan3A_626, %mul3A_854 : i32
      %add3A_856 = arith.constant 3 : i32
      %add3A_857 = arith.addi %mul3A_855, %add3A_856 : i32
      %add3A_858 = arith.constant 3 : i32
      %add3A_859 = arith.addi %add3A_857, %add3A_858 : i32
      %sub3A_860 = arith.constant 5 : i32
      %sub3A_861 = arith.subi %add3A_859, %sub3A_860 : i32
      %mul3A_862 = arith.constant 128 : i32
      %mul3A_863 = arith.muli %sub3A_861, %mul3A_862 : i32
      %add3A_864 = arith.addi %mul3A_2, %mul3A_863 : i32
      %dma_wait3A_865 = arith.constant 1 : i32
      %dma_wait3A_866 = arith.constant 1 : i32
      %dma_wait3A_867 = arith.constant 0 : i32
      %dma_wait3A_868 = arith.constant 0 : i32
      %dma_wait3A_869 = tpu.memref_slice %arg6[%dma_wait3A_865, %dma_wait3A_867, %dma_wait3A_868] : memref<5x128x128xf32, #tpu.memory_space<vmem>> -> memref<1x128x128xf32, #tpu.memory_space<vmem>>
      %dma_wait3A_870 = tpu.memref_squeeze %dma_wait3A_869 : memref<1x128x128xf32, #tpu.memory_space<vmem>> -> memref<128x128xf32, #tpu.memory_space<vmem>>
      %dma_wait3A_871 = arith.constant 0 : i32
      %dma_wait3A_872 = tpu.memref_slice %arg4[%add3A_864, %dma_wait3A_871] : memref<204800x128xf32, #tpu.memory_space<hbm>> -> memref<128x128xf32, #tpu.memory_space<hbm>>
      %dma_wait3A_873 = tpu.memref_slice %arg8[%dma_wait3A_866] : memref<5x!tpu.dma_semaphore, #tpu.memory_space<semaphore_mem>> -> memref<1x!tpu.dma_semaphore, #tpu.memory_space<semaphore_mem>>
      %dma_wait3A_874 = tpu.memref_squeeze %dma_wait3A_873 : memref<1x!tpu.dma_semaphore, #tpu.memory_space<semaphore_mem>> -> memref<!tpu.dma_semaphore, #tpu.memory_space<semaphore_mem>>
      %dma_wait3A_875 = arith.constant 0 : i32
      %dma_wait3A_876 = tpu.memref_slice %arg4[%add3A_864, %dma_wait3A_875] : memref<204800x128xf32, #tpu.memory_space<hbm>> -> memref<128x128xf32, #tpu.memory_space<hbm>>
      %dma_wait3A_877 = arith.constant 0 : i32
      %dma_wait3A_878 = arith.constant 0 : i32
      %dma_wait3A_879 = tpu.memref_slice %arg6[%dma_wait3A_865, %dma_wait3A_877, %dma_wait3A_878] : memref<5x128x128xf32, #tpu.memory_space<vmem>> -> memref<1x128x128xf32, #tpu.memory_space<vmem>>
      %dma_wait3A_880 = tpu.memref_squeeze %dma_wait3A_879 : memref<1x128x128xf32, #tpu.memory_space<vmem>> -> memref<128x128xf32, #tpu.memory_space<vmem>>
      tpu.wait_dma2 semaphore(%dma_wait3A_874 : memref<!tpu.dma_semaphore, #tpu.memory_space<semaphore_mem>>) src(%dma_wait3A_880 : memref<128x128xf32, #tpu.memory_space<vmem>>) dst(%dma_wait3A_876 : memref<128x128xf32, #tpu.memory_space<hbm>>)
      %add3A_881 = arith.constant 3 : i32
      %add3A_882 = arith.addi %add3A_857, %add3A_881 : i32
      %mul3A_883 = arith.constant 128 : i32
      %mul3A_884 = arith.muli %add3A_882, %mul3A_883 : i32
      %dma_start3A_885 = arith.constant 1 : i32
      %dma_start3A_886 = arith.constant 1 : i32
      %dma_start3A_887 = arith.constant 0 : i32
      %dma_start3A_888 = arith.constant 0 : i32
      %dma_start3A_889 = tpu.memref_slice %arg6[%dma_start3A_885, %dma_start3A_887, %dma_start3A_888] : memref<5x128x128xf32, #tpu.memory_space<vmem>> -> memref<1x128x128xf32, #tpu.memory_space<vmem>>
      %dma_start3A_890 = tpu.memref_squeeze %dma_start3A_889 : memref<1x128x128xf32, #tpu.memory_space<vmem>> -> memref<128x128xf32, #tpu.memory_space<vmem>>
      %dma_start3A_891 = tpu.memref_slice %arg5[%mul3A_884] : memref<6400xi32, #tpu.memory_space<vmem>> -> memref<128xi32, #tpu.memory_space<vmem>>
      %dma_start3A_892 = arith.constant 0 : i32
      %dma_start3A_893 = arith.constant 0 : i32
      %dma_start3A_894 = tpu.memref_slice %arg3[%dma_start3A_892, %dma_start3A_893] : memref<100000x128xf32, #tpu.memory_space<hbm>> -> memref<100000x128xf32, #tpu.memory_space<hbm>>
      %dma_start3A_895 = tpu.memref_slice %arg7[%dma_start3A_886] : memref<5x!tpu.dma_semaphore, #tpu.memory_space<semaphore_mem>> -> memref<1x!tpu.dma_semaphore, #tpu.memory_space<semaphore_mem>>
      %dma_start3A_896 = tpu.memref_squeeze %dma_start3A_895 : memref<1x!tpu.dma_semaphore, #tpu.memory_space<semaphore_mem>> -> memref<!tpu.dma_semaphore, #tpu.memory_space<semaphore_mem>>
      tpu.enqueue_indirect_dma source(%dma_start3A_894 : memref<100000x128xf32, #tpu.memory_space<hbm>>) target(%dma_start3A_890 : memref<128x128xf32, #tpu.memory_space<vmem>>) offsets(%dma_start3A_891 : memref<128xi32, #tpu.memory_space<vmem>>) semaphore(%dma_start3A_896 : memref<!tpu.dma_semaphore, #tpu.memory_space<semaphore_mem>>)
      %mul3A_897 = arith.constant 128 : i32
      %mul3A_898 = arith.muli %add3A_857, %mul3A_897 : i32
      %dma_wait3A_899 = arith.constant 3 : i32
      %dma_wait3A_900 = arith.constant 3 : i32
      %dma_wait3A_901 = arith.constant 0 : i32
      %dma_wait3A_902 = arith.constant 0 : i32
      %dma_wait3A_903 = tpu.memref_slice %arg6[%dma_wait3A_899, %dma_wait3A_901, %dma_wait3A_902] : memref<5x128x128xf32, #tpu.memory_space<vmem>> -> memref<1x128x128xf32, #tpu.memory_space<vmem>>
      %dma_wait3A_904 = tpu.memref_squeeze %dma_wait3A_903 : memref<1x128x128xf32, #tpu.memory_space<vmem>> -> memref<128x128xf32, #tpu.memory_space<vmem>>
      %dma_wait3A_905 = tpu.memref_slice %arg5[%mul3A_898] : memref<6400xi32, #tpu.memory_space<vmem>> -> memref<128xi32, #tpu.memory_space<vmem>>
      %dma_wait3A_906 = arith.constant 0 : i32
      %dma_wait3A_907 = arith.constant 0 : i32
      %dma_wait3A_908 = tpu.memref_slice %arg3[%dma_wait3A_906, %dma_wait3A_907] : memref<100000x128xf32, #tpu.memory_space<hbm>> -> memref<100000x128xf32, #tpu.memory_space<hbm>>
      %dma_wait3A_909 = tpu.memref_slice %arg7[%dma_wait3A_900] : memref<5x!tpu.dma_semaphore, #tpu.memory_space<semaphore_mem>> -> memref<1x!tpu.dma_semaphore, #tpu.memory_space<semaphore_mem>>
      %dma_wait3A_910 = tpu.memref_squeeze %dma_wait3A_909 : memref<1x!tpu.dma_semaphore, #tpu.memory_space<semaphore_mem>> -> memref<!tpu.dma_semaphore, #tpu.memory_space<semaphore_mem>>
      tpu.wait_indirect_dma semaphore(%dma_wait3A_910 : memref<!tpu.dma_semaphore, #tpu.memory_space<semaphore_mem>>) src(%dma_wait3A_908 : memref<100000x128xf32, #tpu.memory_space<hbm>>) dst(%dma_wait3A_904 : memref<128x128xf32, #tpu.memory_space<vmem>>)
      %mul3A_911 = arith.constant 128 : i32
      %mul3A_912 = arith.muli %add3A_857, %mul3A_911 : i32
      %add3A_913 = arith.addi %mul3A_2, %mul3A_912 : i32
      %dma_start3A_914 = arith.constant 3 : i32
      %dma_start3A_915 = arith.constant 3 : i32
      %dma_start3A_916 = arith.constant 0 : i32
      %dma_start3A_917 = arith.constant 0 : i32
      %dma_start3A_918 = tpu.memref_slice %arg6[%dma_start3A_914, %dma_start3A_916, %dma_start3A_917] : memref<5x128x128xf32, #tpu.memory_space<vmem>> -> memref<1x128x128xf32, #tpu.memory_space<vmem>>
      %dma_start3A_919 = tpu.memref_squeeze %dma_start3A_918 : memref<1x128x128xf32, #tpu.memory_space<vmem>> -> memref<128x128xf32, #tpu.memory_space<vmem>>
      %dma_start3A_920 = arith.constant 0 : i32
      %dma_start3A_921 = tpu.memref_slice %arg4[%add3A_913, %dma_start3A_920] : memref<204800x128xf32, #tpu.memory_space<hbm>> -> memref<128x128xf32, #tpu.memory_space<hbm>>
      %dma_start3A_922 = tpu.memref_slice %arg8[%dma_start3A_915] : memref<5x!tpu.dma_semaphore, #tpu.memory_space<semaphore_mem>> -> memref<1x!tpu.dma_semaphore, #tpu.memory_space<semaphore_mem>>
      %dma_start3A_923 = tpu.memref_squeeze %dma_start3A_922 : memref<1x!tpu.dma_semaphore, #tpu.memory_space<semaphore_mem>> -> memref<!tpu.dma_semaphore, #tpu.memory_space<semaphore_mem>>
      %dma_start3A_924 = arith.constant 0 : i32
      %dma_start3A_925 = tpu.memref_slice %arg4[%add3A_913, %dma_start3A_924] : memref<204800x128xf32, #tpu.memory_space<hbm>> -> memref<128x128xf32, #tpu.memory_space<hbm>>
      %dma_start3A_926 = arith.constant 0 : i32
      %dma_start3A_927 = arith.constant 0 : i32
      %dma_start3A_928 = tpu.memref_slice %arg6[%dma_start3A_914, %dma_start3A_926, %dma_start3A_927] : memref<5x128x128xf32, #tpu.memory_space<vmem>> -> memref<1x128x128xf32, #tpu.memory_space<vmem>>
      %dma_start3A_929 = tpu.memref_squeeze %dma_start3A_928 : memref<1x128x128xf32, #tpu.memory_space<vmem>> -> memref<128x128xf32, #tpu.memory_space<vmem>>
      tpu.enqueue_dma source(%dma_start3A_929 : memref<128x128xf32, #tpu.memory_space<vmem>>) target(%dma_start3A_925 : memref<128x128xf32, #tpu.memory_space<hbm>>) target_semaphore(%dma_start3A_923 : memref<!tpu.dma_semaphore, #tpu.memory_space<semaphore_mem>>)
      %mul3A_930 = arith.constant 5 : i32
      %mul3A_931 = arith.muli %scan3A_626, %mul3A_930 : i32
      %add3A_932 = arith.constant 4 : i32
      %add3A_933 = arith.addi %mul3A_931, %add3A_932 : i32
      %add3A_934 = arith.constant 3 : i32
      %add3A_935 = arith.addi %add3A_933, %add3A_934 : i32
      %sub3A_936 = arith.constant 5 : i32
      %sub3A_937 = arith.subi %add3A_935, %sub3A_936 : i32
      %mul3A_938 = arith.constant 128 : i32
      %mul3A_939 = arith.muli %sub3A_937, %mul3A_938 : i32
      %add3A_940 = arith.addi %mul3A_2, %mul3A_939 : i32
      %dma_wait3A_941 = arith.constant 2 : i32
      %dma_wait3A_942 = arith.constant 2 : i32
      %dma_wait3A_943 = arith.constant 0 : i32
      %dma_wait3A_944 = arith.constant 0 : i32
      %dma_wait3A_945 = tpu.memref_slice %arg6[%dma_wait3A_941, %dma_wait3A_943, %dma_wait3A_944] : memref<5x128x128xf32, #tpu.memory_space<vmem>> -> memref<1x128x128xf32, #tpu.memory_space<vmem>>
      %dma_wait3A_946 = tpu.memref_squeeze %dma_wait3A_945 : memref<1x128x128xf32, #tpu.memory_space<vmem>> -> memref<128x128xf32, #tpu.memory_space<vmem>>
      %dma_wait3A_947 = arith.constant 0 : i32
      %dma_wait3A_948 = tpu.memref_slice %arg4[%add3A_940, %dma_wait3A_947] : memref<204800x128xf32, #tpu.memory_space<hbm>> -> memref<128x128xf32, #tpu.memory_space<hbm>>
      %dma_wait3A_949 = tpu.memref_slice %arg8[%dma_wait3A_942] : memref<5x!tpu.dma_semaphore, #tpu.memory_space<semaphore_mem>> -> memref<1x!tpu.dma_semaphore, #tpu.memory_space<semaphore_mem>>
      %dma_wait3A_950 = tpu.memref_squeeze %dma_wait3A_949 : memref<1x!tpu.dma_semaphore, #tpu.memory_space<semaphore_mem>> -> memref<!tpu.dma_semaphore, #tpu.memory_space<semaphore_mem>>
      %dma_wait3A_951 = arith.constant 0 : i32
      %dma_wait3A_952 = tpu.memref_slice %arg4[%add3A_940, %dma_wait3A_951] : memref<204800x128xf32, #tpu.memory_space<hbm>> -> memref<128x128xf32, #tpu.memory_space<hbm>>
      %dma_wait3A_953 = arith.constant 0 : i32
      %dma_wait3A_954 = arith.constant 0 : i32
      %dma_wait3A_955 = tpu.memref_slice %arg6[%dma_wait3A_941, %dma_wait3A_953, %dma_wait3A_954] : memref<5x128x128xf32, #tpu.memory_space<vmem>> -> memref<1x128x128xf32, #tpu.memory_space<vmem>>
      %dma_wait3A_956 = tpu.memref_squeeze %dma_wait3A_955 : memref<1x128x128xf32, #tpu.memory_space<vmem>> -> memref<128x128xf32, #tpu.memory_space<vmem>>
      tpu.wait_dma2 semaphore(%dma_wait3A_950 : memref<!tpu.dma_semaphore, #tpu.memory_space<semaphore_mem>>) src(%dma_wait3A_956 : memref<128x128xf32, #tpu.memory_space<vmem>>) dst(%dma_wait3A_952 : memref<128x128xf32, #tpu.memory_space<hbm>>)
      %add3A_957 = arith.constant 3 : i32
      %add3A_958 = arith.addi %add3A_933, %add3A_957 : i32
      %mul3A_959 = arith.constant 128 : i32
      %mul3A_960 = arith.muli %add3A_958, %mul3A_959 : i32
      %dma_start3A_961 = arith.constant 2 : i32
      %dma_start3A_962 = arith.constant 2 : i32
      %dma_start3A_963 = arith.constant 0 : i32
      %dma_start3A_964 = arith.constant 0 : i32
      %dma_start3A_965 = tpu.memref_slice %arg6[%dma_start3A_961, %dma_start3A_963, %dma_start3A_964] : memref<5x128x128xf32, #tpu.memory_space<vmem>> -> memref<1x128x128xf32, #tpu.memory_space<vmem>>
      %dma_start3A_966 = tpu.memref_squeeze %dma_start3A_965 : memref<1x128x128xf32, #tpu.memory_space<vmem>> -> memref<128x128xf32, #tpu.memory_space<vmem>>
      %dma_start3A_967 = tpu.memref_slice %arg5[%mul3A_960] : memref<6400xi32, #tpu.memory_space<vmem>> -> memref<128xi32, #tpu.memory_space<vmem>>
      %dma_start3A_968 = arith.constant 0 : i32
      %dma_start3A_969 = arith.constant 0 : i32
      %dma_start3A_970 = tpu.memref_slice %arg3[%dma_start3A_968, %dma_start3A_969] : memref<100000x128xf32, #tpu.memory_space<hbm>> -> memref<100000x128xf32, #tpu.memory_space<hbm>>
      %dma_start3A_971 = tpu.memref_slice %arg7[%dma_start3A_962] : memref<5x!tpu.dma_semaphore, #tpu.memory_space<semaphore_mem>> -> memref<1x!tpu.dma_semaphore, #tpu.memory_space<semaphore_mem>>
      %dma_start3A_972 = tpu.memref_squeeze %dma_start3A_971 : memref<1x!tpu.dma_semaphore, #tpu.memory_space<semaphore_mem>> -> memref<!tpu.dma_semaphore, #tpu.memory_space<semaphore_mem>>
      tpu.enqueue_indirect_dma source(%dma_start3A_970 : memref<100000x128xf32, #tpu.memory_space<hbm>>) target(%dma_start3A_966 : memref<128x128xf32, #tpu.memory_space<vmem>>) offsets(%dma_start3A_967 : memref<128xi32, #tpu.memory_space<vmem>>) semaphore(%dma_start3A_972 : memref<!tpu.dma_semaphore, #tpu.memory_space<semaphore_mem>>)
      %mul3A_973 = arith.constant 128 : i32
      %mul3A_974 = arith.muli %add3A_933, %mul3A_973 : i32
      %dma_wait3A_975 = arith.constant 4 : i32
      %dma_wait3A_976 = arith.constant 4 : i32
      %dma_wait3A_977 = arith.constant 0 : i32
      %dma_wait3A_978 = arith.constant 0 : i32
      %dma_wait3A_979 = tpu.memref_slice %arg6[%dma_wait3A_975, %dma_wait3A_977, %dma_wait3A_978] : memref<5x128x128xf32, #tpu.memory_space<vmem>> -> memref<1x128x128xf32, #tpu.memory_space<vmem>>
      %dma_wait3A_980 = tpu.memref_squeeze %dma_wait3A_979 : memref<1x128x128xf32, #tpu.memory_space<vmem>> -> memref<128x128xf32, #tpu.memory_space<vmem>>
      %dma_wait3A_981 = tpu.memref_slice %arg5[%mul3A_974] : memref<6400xi32, #tpu.memory_space<vmem>> -> memref<128xi32, #tpu.memory_space<vmem>>
      %dma_wait3A_982 = arith.constant 0 : i32
      %dma_wait3A_983 = arith.constant 0 : i32
      %dma_wait3A_984 = tpu.memref_slice %arg3[%dma_wait3A_982, %dma_wait3A_983] : memref<100000x128xf32, #tpu.memory_space<hbm>> -> memref<100000x128xf32, #tpu.memory_space<hbm>>
      %dma_wait3A_985 = tpu.memref_slice %arg7[%dma_wait3A_976] : memref<5x!tpu.dma_semaphore, #tpu.memory_space<semaphore_mem>> -> memref<1x!tpu.dma_semaphore, #tpu.memory_space<semaphore_mem>>
      %dma_wait3A_986 = tpu.memref_squeeze %dma_wait3A_985 : memref<1x!tpu.dma_semaphore, #tpu.memory_space<semaphore_mem>> -> memref<!tpu.dma_semaphore, #tpu.memory_space<semaphore_mem>>
      tpu.wait_indirect_dma semaphore(%dma_wait3A_986 : memref<!tpu.dma_semaphore, #tpu.memory_space<semaphore_mem>>) src(%dma_wait3A_984 : memref<100000x128xf32, #tpu.memory_space<hbm>>) dst(%dma_wait3A_980 : memref<128x128xf32, #tpu.memory_space<vmem>>)
      %mul3A_987 = arith.constant 128 : i32
      %mul3A_988 = arith.muli %add3A_933, %mul3A_987 : i32
      %add3A_989 = arith.addi %mul3A_2, %mul3A_988 : i32
      %dma_start3A_990 = arith.constant 4 : i32
      %dma_start3A_991 = arith.constant 4 : i32
      %dma_start3A_992 = arith.constant 0 : i32
      %dma_start3A_993 = arith.constant 0 : i32
      %dma_start3A_994 = tpu.memref_slice %arg6[%dma_start3A_990, %dma_start3A_992, %dma_start3A_993] : memref<5x128x128xf32, #tpu.memory_space<vmem>> -> memref<1x128x128xf32, #tpu.memory_space<vmem>>
      %dma_start3A_995 = tpu.memref_squeeze %dma_start3A_994 : memref<1x128x128xf32, #tpu.memory_space<vmem>> -> memref<128x128xf32, #tpu.memory_space<vmem>>
      %dma_start3A_996 = arith.constant 0 : i32
      %dma_start3A_997 = tpu.memref_slice %arg4[%add3A_989, %dma_start3A_996] : memref<204800x128xf32, #tpu.memory_space<hbm>> -> memref<128x128xf32, #tpu.memory_space<hbm>>
      %dma_start3A_998 = tpu.memref_slice %arg8[%dma_start3A_991] : memref<5x!tpu.dma_semaphore, #tpu.memory_space<semaphore_mem>> -> memref<1x!tpu.dma_semaphore, #tpu.memory_space<semaphore_mem>>
      %dma_start3A_999 = tpu.memref_squeeze %dma_start3A_998 : memref<1x!tpu.dma_semaphore, #tpu.memory_space<semaphore_mem>> -> memref<!tpu.dma_semaphore, #tpu.memory_space<semaphore_mem>>
      %dma_start3A_1000 = arith.constant 0 : i32
      %dma_start3A_1001 = tpu.memref_slice %arg4[%add3A_989, %dma_start3A_1000] : memref<204800x128xf32, #tpu.memory_space<hbm>> -> memref<128x128xf32, #tpu.memory_space<hbm>>
      %dma_start3A_1002 = arith.constant 0 : i32
      %dma_start3A_1003 = arith.constant 0 : i32
      %dma_start3A_1004 = tpu.memref_slice %arg6[%dma_start3A_990, %dma_start3A_1002, %dma_start3A_1003] : memref<5x128x128xf32, #tpu.memory_space<vmem>> -> memref<1x128x128xf32, #tpu.memory_space<vmem>>
      %dma_start3A_1005 = tpu.memref_squeeze %dma_start3A_1004 : memref<1x128x128xf32, #tpu.memory_space<vmem>> -> memref<128x128xf32, #tpu.memory_space<vmem>>
      tpu.enqueue_dma source(%dma_start3A_1005 : memref<128x128xf32, #tpu.memory_space<vmem>>) target(%dma_start3A_1001 : memref<128x128xf32, #tpu.memory_space<hbm>>) target_semaphore(%dma_start3A_999 : memref<!tpu.dma_semaphore, #tpu.memory_space<semaphore_mem>>)
    }
    %scan3A_318 = arith.constant 8 : i32
    %add3A_319 = arith.constant 5504 : i32
    %add3A_320 = arith.addi %mul3A_2, %add3A_319 : i32
    %dma_wait3A_321 = arith.constant 3 : i32
    %dma_wait3A_322 = arith.constant 3 : i32
    %dma_wait3A_323 = arith.constant 0 : i32
    %dma_wait3A_324 = arith.constant 0 : i32
    %dma_wait3A_325 = tpu.memref_slice %arg6[%dma_wait3A_321, %dma_wait3A_323, %dma_wait3A_324] : memref<5x128x128xf32, #tpu.memory_space<vmem>> -> memref<1x128x128xf32, #tpu.memory_space<vmem>>
    %dma_wait3A_326 = tpu.memref_squeeze %dma_wait3A_325 : memref<1x128x128xf32, #tpu.memory_space<vmem>> -> memref<128x128xf32, #tpu.memory_space<vmem>>
    %dma_wait3A_327 = arith.constant 0 : i32
    %dma_wait3A_328 = tpu.memref_slice %arg4[%add3A_320, %dma_wait3A_327] : memref<204800x128xf32, #tpu.memory_space<hbm>> -> memref<128x128xf32, #tpu.memory_space<hbm>>
    %dma_wait3A_329 = tpu.memref_slice %arg8[%dma_wait3A_322] : memref<5x!tpu.dma_semaphore, #tpu.memory_space<semaphore_mem>> -> memref<1x!tpu.dma_semaphore, #tpu.memory_space<semaphore_mem>>
    %dma_wait3A_330 = tpu.memref_squeeze %dma_wait3A_329 : memref<1x!tpu.dma_semaphore, #tpu.memory_space<semaphore_mem>> -> memref<!tpu.dma_semaphore, #tpu.memory_space<semaphore_mem>>
    %dma_wait3A_331 = arith.constant 0 : i32
    %dma_wait3A_332 = tpu.memref_slice %arg4[%add3A_320, %dma_wait3A_331] : memref<204800x128xf32, #tpu.memory_space<hbm>> -> memref<128x128xf32, #tpu.memory_space<hbm>>
    %dma_wait3A_333 = arith.constant 0 : i32
    %dma_wait3A_334 = arith.constant 0 : i32
    %dma_wait3A_335 = tpu.memref_slice %arg6[%dma_wait3A_321, %dma_wait3A_333, %dma_wait3A_334] : memref<5x128x128xf32, #tpu.memory_space<vmem>> -> memref<1x128x128xf32, #tpu.memory_space<vmem>>
    %dma_wait3A_336 = tpu.memref_squeeze %dma_wait3A_335 : memref<1x128x128xf32, #tpu.memory_space<vmem>> -> memref<128x128xf32, #tpu.memory_space<vmem>>
    tpu.wait_dma2 semaphore(%dma_wait3A_330 : memref<!tpu.dma_semaphore, #tpu.memory_space<semaphore_mem>>) src(%dma_wait3A_336 : memref<128x128xf32, #tpu.memory_space<vmem>>) dst(%dma_wait3A_332 : memref<128x128xf32, #tpu.memory_space<hbm>>)
    %dma_start3A_337 = arith.constant 3 : i32
    %dma_start3A_338 = arith.constant 3 : i32
    %dma_start3A_339 = arith.constant 0 : i32
    %dma_start3A_340 = arith.constant 0 : i32
    %dma_start3A_341 = tpu.memref_slice %arg6[%dma_start3A_337, %dma_start3A_339, %dma_start3A_340] : memref<5x128x128xf32, #tpu.memory_space<vmem>> -> memref<1x128x128xf32, #tpu.memory_space<vmem>>
    %dma_start3A_342 = tpu.memref_squeeze %dma_start3A_341 : memref<1x128x128xf32, #tpu.memory_space<vmem>> -> memref<128x128xf32, #tpu.memory_space<vmem>>
    %dma_start3A_343 = arith.constant 6144 : i32
    %dma_start3A_344 = tpu.memref_slice %arg5[%dma_start3A_343] : memref<6400xi32, #tpu.memory_space<vmem>> -> memref<128xi32, #tpu.memory_space<vmem>>
    %dma_start3A_345 = arith.constant 0 : i32
    %dma_start3A_346 = arith.constant 0 : i32
    %dma_start3A_347 = tpu.memref_slice %arg3[%dma_start3A_345, %dma_start3A_346] : memref<100000x128xf32, #tpu.memory_space<hbm>> -> memref<100000x128xf32, #tpu.memory_space<hbm>>
    %dma_start3A_348 = tpu.memref_slice %arg7[%dma_start3A_338] : memref<5x!tpu.dma_semaphore, #tpu.memory_space<semaphore_mem>> -> memref<1x!tpu.dma_semaphore, #tpu.memory_space<semaphore_mem>>
    %dma_start3A_349 = tpu.memref_squeeze %dma_start3A_348 : memref<1x!tpu.dma_semaphore, #tpu.memory_space<semaphore_mem>> -> memref<!tpu.dma_semaphore, #tpu.memory_space<semaphore_mem>>
    tpu.enqueue_indirect_dma source(%dma_start3A_347 : memref<100000x128xf32, #tpu.memory_space<hbm>>) target(%dma_start3A_342 : memref<128x128xf32, #tpu.memory_space<vmem>>) offsets(%dma_start3A_344 : memref<128xi32, #tpu.memory_space<vmem>>) semaphore(%dma_start3A_349 : memref<!tpu.dma_semaphore, #tpu.memory_space<semaphore_mem>>)
    %dma_wait3A_350 = arith.constant 0 : i32
    %dma_wait3A_351 = arith.constant 0 : i32
    %dma_wait3A_352 = arith.constant 0 : i32
    %dma_wait3A_353 = arith.constant 0 : i32
    %dma_wait3A_354 = tpu.memref_slice %arg6[%dma_wait3A_350, %dma_wait3A_352, %dma_wait3A_353] : memref<5x128x128xf32, #tpu.memory_space<vmem>> -> memref<1x128x128xf32, #tpu.memory_space<vmem>>
    %dma_wait3A_355 = tpu.memref_squeeze %dma_wait3A_354 : memref<1x128x128xf32, #tpu.memory_space<vmem>> -> memref<128x128xf32, #tpu.memory_space<vmem>>
    %dma_wait3A_356 = arith.constant 5760 : i32
    %dma_wait3A_357 = tpu.memref_slice %arg5[%dma_wait3A_356] : memref<6400xi32, #tpu.memory_space<vmem>> -> memref<128xi32, #tpu.memory_space<vmem>>
    %dma_wait3A_358 = arith.constant 0 : i32
    %dma_wait3A_359 = arith.constant 0 : i32
    %dma_wait3A_360 = tpu.memref_slice %arg3[%dma_wait3A_358, %dma_wait3A_359] : memref<100000x128xf32, #tpu.memory_space<hbm>> -> memref<100000x128xf32, #tpu.memory_space<hbm>>
    %dma_wait3A_361 = tpu.memref_slice %arg7[%dma_wait3A_351] : memref<5x!tpu.dma_semaphore, #tpu.memory_space<semaphore_mem>> -> memref<1x!tpu.dma_semaphore, #tpu.memory_space<semaphore_mem>>
    %dma_wait3A_362 = tpu.memref_squeeze %dma_wait3A_361 : memref<1x!tpu.dma_semaphore, #tpu.memory_space<semaphore_mem>> -> memref<!tpu.dma_semaphore, #tpu.memory_space<semaphore_mem>>
    tpu.wait_indirect_dma semaphore(%dma_wait3A_362 : memref<!tpu.dma_semaphore, #tpu.memory_space<semaphore_mem>>) src(%dma_wait3A_360 : memref<100000x128xf32, #tpu.memory_space<hbm>>) dst(%dma_wait3A_355 : memref<128x128xf32, #tpu.memory_space<vmem>>)
    %add3A_363 = arith.constant 5760 : i32
    %add3A_364 = arith.addi %mul3A_2, %add3A_363 : i32
    %dma_start3A_365 = arith.constant 0 : i32
    %dma_start3A_366 = arith.constant 0 : i32
    %dma_start3A_367 = arith.constant 0 : i32
    %dma_start3A_368 = arith.constant 0 : i32
    %dma_start3A_369 = tpu.memref_slice %arg6[%dma_start3A_365, %dma_start3A_367, %dma_start3A_368] : memref<5x128x128xf32, #tpu.memory_space<vmem>> -> memref<1x128x128xf32, #tpu.memory_space<vmem>>
    %dma_start3A_370 = tpu.memref_squeeze %dma_start3A_369 : memref<1x128x128xf32, #tpu.memory_space<vmem>> -> memref<128x128xf32, #tpu.memory_space<vmem>>
    %dma_start3A_371 = arith.constant 0 : i32
    %dma_start3A_372 = tpu.memref_slice %arg4[%add3A_364, %dma_start3A_371] : memref<204800x128xf32, #tpu.memory_space<hbm>> -> memref<128x128xf32, #tpu.memory_space<hbm>>
    %dma_start3A_373 = tpu.memref_slice %arg8[%dma_start3A_366] : memref<5x!tpu.dma_semaphore, #tpu.memory_space<semaphore_mem>> -> memref<1x!tpu.dma_semaphore, #tpu.memory_space<semaphore_mem>>
    %dma_start3A_374 = tpu.memref_squeeze %dma_start3A_373 : memref<1x!tpu.dma_semaphore, #tpu.memory_space<semaphore_mem>> -> memref<!tpu.dma_semaphore, #tpu.memory_space<semaphore_mem>>
    %dma_start3A_375 = arith.constant 0 : i32
    %dma_start3A_376 = tpu.memref_slice %arg4[%add3A_364, %dma_start3A_375] : memref<204800x128xf32, #tpu.memory_space<hbm>> -> memref<128x128xf32, #tpu.memory_space<hbm>>
    %dma_start3A_377 = arith.constant 0 : i32
    %dma_start3A_378 = arith.constant 0 : i32
    %dma_start3A_379 = tpu.memref_slice %arg6[%dma_start3A_365, %dma_start3A_377, %dma_start3A_378] : memref<5x128x128xf32, #tpu.memory_space<vmem>> -> memref<1x128x128xf32, #tpu.memory_space<vmem>>
    %dma_start3A_380 = tpu.memref_squeeze %dma_start3A_379 : memref<1x128x128xf32, #tpu.memory_space<vmem>> -> memref<128x128xf32, #tpu.memory_space<vmem>>
    tpu.enqueue_dma source(%dma_start3A_380 : memref<128x128xf32, #tpu.memory_space<vmem>>) target(%dma_start3A_376 : memref<128x128xf32, #tpu.memory_space<hbm>>) target_semaphore(%dma_start3A_374 : memref<!tpu.dma_semaphore, #tpu.memory_space<semaphore_mem>>)
    %add3A_381 = arith.constant 5632 : i32
    %add3A_382 = arith.addi %mul3A_2, %add3A_381 : i32
    %dma_wait3A_383 = arith.constant 4 : i32
    %dma_wait3A_384 = arith.constant 4 : i32
    %dma_wait3A_385 = arith.constant 0 : i32
    %dma_wait3A_386 = arith.constant 0 : i32
    %dma_wait3A_387 = tpu.memref_slice %arg6[%dma_wait3A_383, %dma_wait3A_385, %dma_wait3A_386] : memref<5x128x128xf32, #tpu.memory_space<vmem>> -> memref<1x128x128xf32, #tpu.memory_space<vmem>>
    %dma_wait3A_388 = tpu.memref_squeeze %dma_wait3A_387 : memref<1x128x128xf32, #tpu.memory_space<vmem>> -> memref<128x128xf32, #tpu.memory_space<vmem>>
    %dma_wait3A_389 = arith.constant 0 : i32
    %dma_wait3A_390 = tpu.memref_slice %arg4[%add3A_382, %dma_wait3A_389] : memref<204800x128xf32, #tpu.memory_space<hbm>> -> memref<128x128xf32, #tpu.memory_space<hbm>>
    %dma_wait3A_391 = tpu.memref_slice %arg8[%dma_wait3A_384] : memref<5x!tpu.dma_semaphore, #tpu.memory_space<semaphore_mem>> -> memref<1x!tpu.dma_semaphore, #tpu.memory_space<semaphore_mem>>
    %dma_wait3A_392 = tpu.memref_squeeze %dma_wait3A_391 : memref<1x!tpu.dma_semaphore, #tpu.memory_space<semaphore_mem>> -> memref<!tpu.dma_semaphore, #tpu.memory_space<semaphore_mem>>
    %dma_wait3A_393 = arith.constant 0 : i32
    %dma_wait3A_394 = tpu.memref_slice %arg4[%add3A_382, %dma_wait3A_393] : memref<204800x128xf32, #tpu.memory_space<hbm>> -> memref<128x128xf32, #tpu.memory_space<hbm>>
    %dma_wait3A_395 = arith.constant 0 : i32
    %dma_wait3A_396 = arith.constant 0 : i32
    %dma_wait3A_397 = tpu.memref_slice %arg6[%dma_wait3A_383, %dma_wait3A_395, %dma_wait3A_396] : memref<5x128x128xf32, #tpu.memory_space<vmem>> -> memref<1x128x128xf32, #tpu.memory_space<vmem>>
    %dma_wait3A_398 = tpu.memref_squeeze %dma_wait3A_397 : memref<1x128x128xf32, #tpu.memory_space<vmem>> -> memref<128x128xf32, #tpu.memory_space<vmem>>
    tpu.wait_dma2 semaphore(%dma_wait3A_392 : memref<!tpu.dma_semaphore, #tpu.memory_space<semaphore_mem>>) src(%dma_wait3A_398 : memref<128x128xf32, #tpu.memory_space<vmem>>) dst(%dma_wait3A_394 : memref<128x128xf32, #tpu.memory_space<hbm>>)
    %dma_start3A_399 = arith.constant 4 : i32
    %dma_start3A_400 = arith.constant 4 : i32
    %dma_start3A_401 = arith.constant 0 : i32
    %dma_start3A_402 = arith.constant 0 : i32
    %dma_start3A_403 = tpu.memref_slice %arg6[%dma_start3A_399, %dma_start3A_401, %dma_start3A_402] : memref<5x128x128xf32, #tpu.memory_space<vmem>> -> memref<1x128x128xf32, #tpu.memory_space<vmem>>
    %dma_start3A_404 = tpu.memref_squeeze %dma_start3A_403 : memref<1x128x128xf32, #tpu.memory_space<vmem>> -> memref<128x128xf32, #tpu.memory_space<vmem>>
    %dma_start3A_405 = arith.constant 6272 : i32
    %dma_start3A_406 = tpu.memref_slice %arg5[%dma_start3A_405] : memref<6400xi32, #tpu.memory_space<vmem>> -> memref<128xi32, #tpu.memory_space<vmem>>
    %dma_start3A_407 = arith.constant 0 : i32
    %dma_start3A_408 = arith.constant 0 : i32
    %dma_start3A_409 = tpu.memref_slice %arg3[%dma_start3A_407, %dma_start3A_408] : memref<100000x128xf32, #tpu.memory_space<hbm>> -> memref<100000x128xf32, #tpu.memory_space<hbm>>
    %dma_start3A_410 = tpu.memref_slice %arg7[%dma_start3A_400] : memref<5x!tpu.dma_semaphore, #tpu.memory_space<semaphore_mem>> -> memref<1x!tpu.dma_semaphore, #tpu.memory_space<semaphore_mem>>
    %dma_start3A_411 = tpu.memref_squeeze %dma_start3A_410 : memref<1x!tpu.dma_semaphore, #tpu.memory_space<semaphore_mem>> -> memref<!tpu.dma_semaphore, #tpu.memory_space<semaphore_mem>>
    tpu.enqueue_indirect_dma source(%dma_start3A_409 : memref<100000x128xf32, #tpu.memory_space<hbm>>) target(%dma_start3A_404 : memref<128x128xf32, #tpu.memory_space<vmem>>) offsets(%dma_start3A_406 : memref<128xi32, #tpu.memory_space<vmem>>) semaphore(%dma_start3A_411 : memref<!tpu.dma_semaphore, #tpu.memory_space<semaphore_mem>>)
    %dma_wait3A_412 = arith.constant 1 : i32
    %dma_wait3A_413 = arith.constant 1 : i32
    %dma_wait3A_414 = arith.constant 0 : i32
    %dma_wait3A_415 = arith.constant 0 : i32
    %dma_wait3A_416 = tpu.memref_slice %arg6[%dma_wait3A_412, %dma_wait3A_414, %dma_wait3A_415] : memref<5x128x128xf32, #tpu.memory_space<vmem>> -> memref<1x128x128xf32, #tpu.memory_space<vmem>>
    %dma_wait3A_417 = tpu.memref_squeeze %dma_wait3A_416 : memref<1x128x128xf32, #tpu.memory_space<vmem>> -> memref<128x128xf32, #tpu.memory_space<vmem>>
    %dma_wait3A_418 = arith.constant 5888 : i32
    %dma_wait3A_419 = tpu.memref_slice %arg5[%dma_wait3A_418] : memref<6400xi32, #tpu.memory_space<vmem>> -> memref<128xi32, #tpu.memory_space<vmem>>
    %dma_wait3A_420 = arith.constant 0 : i32
    %dma_wait3A_421 = arith.constant 0 : i32
    %dma_wait3A_422 = tpu.memref_slice %arg3[%dma_wait3A_420, %dma_wait3A_421] : memref<100000x128xf32, #tpu.memory_space<hbm>> -> memref<100000x128xf32, #tpu.memory_space<hbm>>
    %dma_wait3A_423 = tpu.memref_slice %arg7[%dma_wait3A_413] : memref<5x!tpu.dma_semaphore, #tpu.memory_space<semaphore_mem>> -> memref<1x!tpu.dma_semaphore, #tpu.memory_space<semaphore_mem>>
    %dma_wait3A_424 = tpu.memref_squeeze %dma_wait3A_423 : memref<1x!tpu.dma_semaphore, #tpu.memory_space<semaphore_mem>> -> memref<!tpu.dma_semaphore, #tpu.memory_space<semaphore_mem>>
    tpu.wait_indirect_dma semaphore(%dma_wait3A_424 : memref<!tpu.dma_semaphore, #tpu.memory_space<semaphore_mem>>) src(%dma_wait3A_422 : memref<100000x128xf32, #tpu.memory_space<hbm>>) dst(%dma_wait3A_417 : memref<128x128xf32, #tpu.memory_space<vmem>>)
    %add3A_425 = arith.constant 5888 : i32
    %add3A_426 = arith.addi %mul3A_2, %add3A_425 : i32
    %dma_start3A_427 = arith.constant 1 : i32
    %dma_start3A_428 = arith.constant 1 : i32
    %dma_start3A_429 = arith.constant 0 : i32
    %dma_start3A_430 = arith.constant 0 : i32
    %dma_start3A_431 = tpu.memref_slice %arg6[%dma_start3A_427, %dma_start3A_429, %dma_start3A_430] : memref<5x128x128xf32, #tpu.memory_space<vmem>> -> memref<1x128x128xf32, #tpu.memory_space<vmem>>
    %dma_start3A_432 = tpu.memref_squeeze %dma_start3A_431 : memref<1x128x128xf32, #tpu.memory_space<vmem>> -> memref<128x128xf32, #tpu.memory_space<vmem>>
    %dma_start3A_433 = arith.constant 0 : i32
    %dma_start3A_434 = tpu.memref_slice %arg4[%add3A_426, %dma_start3A_433] : memref<204800x128xf32, #tpu.memory_space<hbm>> -> memref<128x128xf32, #tpu.memory_space<hbm>>
    %dma_start3A_435 = tpu.memref_slice %arg8[%dma_start3A_428] : memref<5x!tpu.dma_semaphore, #tpu.memory_space<semaphore_mem>> -> memref<1x!tpu.dma_semaphore, #tpu.memory_space<semaphore_mem>>
    %dma_start3A_436 = tpu.memref_squeeze %dma_start3A_435 : memref<1x!tpu.dma_semaphore, #tpu.memory_space<semaphore_mem>> -> memref<!tpu.dma_semaphore, #tpu.memory_space<semaphore_mem>>
    %dma_start3A_437 = arith.constant 0 : i32
    %dma_start3A_438 = tpu.memref_slice %arg4[%add3A_426, %dma_start3A_437] : memref<204800x128xf32, #tpu.memory_space<hbm>> -> memref<128x128xf32, #tpu.memory_space<hbm>>
    %dma_start3A_439 = arith.constant 0 : i32
    %dma_start3A_440 = arith.constant 0 : i32
    %dma_start3A_441 = tpu.memref_slice %arg6[%dma_start3A_427, %dma_start3A_439, %dma_start3A_440] : memref<5x128x128xf32, #tpu.memory_space<vmem>> -> memref<1x128x128xf32, #tpu.memory_space<vmem>>
    %dma_start3A_442 = tpu.memref_squeeze %dma_start3A_441 : memref<1x128x128xf32, #tpu.memory_space<vmem>> -> memref<128x128xf32, #tpu.memory_space<vmem>>
    tpu.enqueue_dma source(%dma_start3A_442 : memref<128x128xf32, #tpu.memory_space<vmem>>) target(%dma_start3A_438 : memref<128x128xf32, #tpu.memory_space<hbm>>) target_semaphore(%dma_start3A_436 : memref<!tpu.dma_semaphore, #tpu.memory_space<semaphore_mem>>)
    %dma_wait3A_443 = arith.constant 2 : i32
    %dma_wait3A_444 = arith.constant 2 : i32
    %dma_wait3A_445 = arith.constant 0 : i32
    %dma_wait3A_446 = arith.constant 0 : i32
    %dma_wait3A_447 = tpu.memref_slice %arg6[%dma_wait3A_443, %dma_wait3A_445, %dma_wait3A_446] : memref<5x128x128xf32, #tpu.memory_space<vmem>> -> memref<1x128x128xf32, #tpu.memory_space<vmem>>
    %dma_wait3A_448 = tpu.memref_squeeze %dma_wait3A_447 : memref<1x128x128xf32, #tpu.memory_space<vmem>> -> memref<128x128xf32, #tpu.memory_space<vmem>>
    %dma_wait3A_449 = arith.constant 6016 : i32
    %dma_wait3A_450 = tpu.memref_slice %arg5[%dma_wait3A_449] : memref<6400xi32, #tpu.memory_space<vmem>> -> memref<128xi32, #tpu.memory_space<vmem>>
    %dma_wait3A_451 = arith.constant 0 : i32
    %dma_wait3A_452 = arith.constant 0 : i32
    %dma_wait3A_453 = tpu.memref_slice %arg3[%dma_wait3A_451, %dma_wait3A_452] : memref<100000x128xf32, #tpu.memory_space<hbm>> -> memref<100000x128xf32, #tpu.memory_space<hbm>>
    %dma_wait3A_454 = tpu.memref_slice %arg7[%dma_wait3A_444] : memref<5x!tpu.dma_semaphore, #tpu.memory_space<semaphore_mem>> -> memref<1x!tpu.dma_semaphore, #tpu.memory_space<semaphore_mem>>
    %dma_wait3A_455 = tpu.memref_squeeze %dma_wait3A_454 : memref<1x!tpu.dma_semaphore, #tpu.memory_space<semaphore_mem>> -> memref<!tpu.dma_semaphore, #tpu.memory_space<semaphore_mem>>
    tpu.wait_indirect_dma semaphore(%dma_wait3A_455 : memref<!tpu.dma_semaphore, #tpu.memory_space<semaphore_mem>>) src(%dma_wait3A_453 : memref<100000x128xf32, #tpu.memory_space<hbm>>) dst(%dma_wait3A_448 : memref<128x128xf32, #tpu.memory_space<vmem>>)
    %add3A_456 = arith.constant 6016 : i32
    %add3A_457 = arith.addi %mul3A_2, %add3A_456 : i32
    %dma_start3A_458 = arith.constant 2 : i32
    %dma_start3A_459 = arith.constant 2 : i32
    %dma_start3A_460 = arith.constant 0 : i32
    %dma_start3A_461 = arith.constant 0 : i32
    %dma_start3A_462 = tpu.memref_slice %arg6[%dma_start3A_458, %dma_start3A_460, %dma_start3A_461] : memref<5x128x128xf32, #tpu.memory_space<vmem>> -> memref<1x128x128xf32, #tpu.memory_space<vmem>>
    %dma_start3A_463 = tpu.memref_squeeze %dma_start3A_462 : memref<1x128x128xf32, #tpu.memory_space<vmem>> -> memref<128x128xf32, #tpu.memory_space<vmem>>
    %dma_start3A_464 = arith.constant 0 : i32
    %dma_start3A_465 = tpu.memref_slice %arg4[%add3A_457, %dma_start3A_464] : memref<204800x128xf32, #tpu.memory_space<hbm>> -> memref<128x128xf32, #tpu.memory_space<hbm>>
    %dma_start3A_466 = tpu.memref_slice %arg8[%dma_start3A_459] : memref<5x!tpu.dma_semaphore, #tpu.memory_space<semaphore_mem>> -> memref<1x!tpu.dma_semaphore, #tpu.memory_space<semaphore_mem>>
    %dma_start3A_467 = tpu.memref_squeeze %dma_start3A_466 : memref<1x!tpu.dma_semaphore, #tpu.memory_space<semaphore_mem>> -> memref<!tpu.dma_semaphore, #tpu.memory_space<semaphore_mem>>
    %dma_start3A_468 = arith.constant 0 : i32
    %dma_start3A_469 = tpu.memref_slice %arg4[%add3A_457, %dma_start3A_468] : memref<204800x128xf32, #tpu.memory_space<hbm>> -> memref<128x128xf32, #tpu.memory_space<hbm>>
    %dma_start3A_470 = arith.constant 0 : i32
    %dma_start3A_471 = arith.constant 0 : i32
    %dma_start3A_472 = tpu.memref_slice %arg6[%dma_start3A_458, %dma_start3A_470, %dma_start3A_471] : memref<5x128x128xf32, #tpu.memory_space<vmem>> -> memref<1x128x128xf32, #tpu.memory_space<vmem>>
    %dma_start3A_473 = tpu.memref_squeeze %dma_start3A_472 : memref<1x128x128xf32, #tpu.memory_space<vmem>> -> memref<128x128xf32, #tpu.memory_space<vmem>>
    tpu.enqueue_dma source(%dma_start3A_473 : memref<128x128xf32, #tpu.memory_space<vmem>>) target(%dma_start3A_469 : memref<128x128xf32, #tpu.memory_space<hbm>>) target_semaphore(%dma_start3A_467 : memref<!tpu.dma_semaphore, #tpu.memory_space<semaphore_mem>>)
    %dma_wait3A_474 = arith.constant 3 : i32
    %dma_wait3A_475 = arith.constant 3 : i32
    %dma_wait3A_476 = arith.constant 0 : i32
    %dma_wait3A_477 = arith.constant 0 : i32
    %dma_wait3A_478 = tpu.memref_slice %arg6[%dma_wait3A_474, %dma_wait3A_476, %dma_wait3A_477] : memref<5x128x128xf32, #tpu.memory_space<vmem>> -> memref<1x128x128xf32, #tpu.memory_space<vmem>>
    %dma_wait3A_479 = tpu.memref_squeeze %dma_wait3A_478 : memref<1x128x128xf32, #tpu.memory_space<vmem>> -> memref<128x128xf32, #tpu.memory_space<vmem>>
    %dma_wait3A_480 = arith.constant 6144 : i32
    %dma_wait3A_481 = tpu.memref_slice %arg5[%dma_wait3A_480] : memref<6400xi32, #tpu.memory_space<vmem>> -> memref<128xi32, #tpu.memory_space<vmem>>
    %dma_wait3A_482 = arith.constant 0 : i32
    %dma_wait3A_483 = arith.constant 0 : i32
    %dma_wait3A_484 = tpu.memref_slice %arg3[%dma_wait3A_482, %dma_wait3A_483] : memref<100000x128xf32, #tpu.memory_space<hbm>> -> memref<100000x128xf32, #tpu.memory_space<hbm>>
    %dma_wait3A_485 = tpu.memref_slice %arg7[%dma_wait3A_475] : memref<5x!tpu.dma_semaphore, #tpu.memory_space<semaphore_mem>> -> memref<1x!tpu.dma_semaphore, #tpu.memory_space<semaphore_mem>>
    %dma_wait3A_486 = tpu.memref_squeeze %dma_wait3A_485 : memref<1x!tpu.dma_semaphore, #tpu.memory_space<semaphore_mem>> -> memref<!tpu.dma_semaphore, #tpu.memory_space<semaphore_mem>>
    tpu.wait_indirect_dma semaphore(%dma_wait3A_486 : memref<!tpu.dma_semaphore, #tpu.memory_space<semaphore_mem>>) src(%dma_wait3A_484 : memref<100000x128xf32, #tpu.memory_space<hbm>>) dst(%dma_wait3A_479 : memref<128x128xf32, #tpu.memory_space<vmem>>)
    %add3A_487 = arith.constant 6144 : i32
    %add3A_488 = arith.addi %mul3A_2, %add3A_487 : i32
    %dma_start3A_489 = arith.constant 3 : i32
    %dma_start3A_490 = arith.constant 3 : i32
    %dma_start3A_491 = arith.constant 0 : i32
    %dma_start3A_492 = arith.constant 0 : i32
    %dma_start3A_493 = tpu.memref_slice %arg6[%dma_start3A_489, %dma_start3A_491, %dma_start3A_492] : memref<5x128x128xf32, #tpu.memory_space<vmem>> -> memref<1x128x128xf32, #tpu.memory_space<vmem>>
    %dma_start3A_494 = tpu.memref_squeeze %dma_start3A_493 : memref<1x128x128xf32, #tpu.memory_space<vmem>> -> memref<128x128xf32, #tpu.memory_space<vmem>>
    %dma_start3A_495 = arith.constant 0 : i32
    %dma_start3A_496 = tpu.memref_slice %arg4[%add3A_488, %dma_start3A_495] : memref<204800x128xf32, #tpu.memory_space<hbm>> -> memref<128x128xf32, #tpu.memory_space<hbm>>
    %dma_start3A_497 = tpu.memref_slice %arg8[%dma_start3A_490] : memref<5x!tpu.dma_semaphore, #tpu.memory_space<semaphore_mem>> -> memref<1x!tpu.dma_semaphore, #tpu.memory_space<semaphore_mem>>
    %dma_start3A_498 = tpu.memref_squeeze %dma_start3A_497 : memref<1x!tpu.dma_semaphore, #tpu.memory_space<semaphore_mem>> -> memref<!tpu.dma_semaphore, #tpu.memory_space<semaphore_mem>>
    %dma_start3A_499 = arith.constant 0 : i32
    %dma_start3A_500 = tpu.memref_slice %arg4[%add3A_488, %dma_start3A_499] : memref<204800x128xf32, #tpu.memory_space<hbm>> -> memref<128x128xf32, #tpu.memory_space<hbm>>
    %dma_start3A_501 = arith.constant 0 : i32
    %dma_start3A_502 = arith.constant 0 : i32
    %dma_start3A_503 = tpu.memref_slice %arg6[%dma_start3A_489, %dma_start3A_501, %dma_start3A_502] : memref<5x128x128xf32, #tpu.memory_space<vmem>> -> memref<1x128x128xf32, #tpu.memory_space<vmem>>
    %dma_start3A_504 = tpu.memref_squeeze %dma_start3A_503 : memref<1x128x128xf32, #tpu.memory_space<vmem>> -> memref<128x128xf32, #tpu.memory_space<vmem>>
    tpu.enqueue_dma source(%dma_start3A_504 : memref<128x128xf32, #tpu.memory_space<vmem>>) target(%dma_start3A_500 : memref<128x128xf32, #tpu.memory_space<hbm>>) target_semaphore(%dma_start3A_498 : memref<!tpu.dma_semaphore, #tpu.memory_space<semaphore_mem>>)
    %dma_wait3A_505 = arith.constant 4 : i32
    %dma_wait3A_506 = arith.constant 4 : i32
    %dma_wait3A_507 = arith.constant 0 : i32
    %dma_wait3A_508 = arith.constant 0 : i32
    %dma_wait3A_509 = tpu.memref_slice %arg6[%dma_wait3A_505, %dma_wait3A_507, %dma_wait3A_508] : memref<5x128x128xf32, #tpu.memory_space<vmem>> -> memref<1x128x128xf32, #tpu.memory_space<vmem>>
    %dma_wait3A_510 = tpu.memref_squeeze %dma_wait3A_509 : memref<1x128x128xf32, #tpu.memory_space<vmem>> -> memref<128x128xf32, #tpu.memory_space<vmem>>
    %dma_wait3A_511 = arith.constant 6272 : i32
    %dma_wait3A_512 = tpu.memref_slice %arg5[%dma_wait3A_511] : memref<6400xi32, #tpu.memory_space<vmem>> -> memref<128xi32, #tpu.memory_space<vmem>>
    %dma_wait3A_513 = arith.constant 0 : i32
    %dma_wait3A_514 = arith.constant 0 : i32
    %dma_wait3A_515 = tpu.memref_slice %arg3[%dma_wait3A_513, %dma_wait3A_514] : memref<100000x128xf32, #tpu.memory_space<hbm>> -> memref<100000x128xf32, #tpu.memory_space<hbm>>
    %dma_wait3A_516 = tpu.memref_slice %arg7[%dma_wait3A_506] : memref<5x!tpu.dma_semaphore, #tpu.memory_space<semaphore_mem>> -> memref<1x!tpu.dma_semaphore, #tpu.memory_space<semaphore_mem>>
    %dma_wait3A_517 = tpu.memref_squeeze %dma_wait3A_516 : memref<1x!tpu.dma_semaphore, #tpu.memory_space<semaphore_mem>> -> memref<!tpu.dma_semaphore, #tpu.memory_space<semaphore_mem>>
    tpu.wait_indirect_dma semaphore(%dma_wait3A_517 : memref<!tpu.dma_semaphore, #tpu.memory_space<semaphore_mem>>) src(%dma_wait3A_515 : memref<100000x128xf32, #tpu.memory_space<hbm>>) dst(%dma_wait3A_510 : memref<128x128xf32, #tpu.memory_space<vmem>>)
    %add3A_518 = arith.constant 6272 : i32
    %add3A_519 = arith.addi %mul3A_2, %add3A_518 : i32
    %dma_start3A_520 = arith.constant 4 : i32
    %dma_start3A_521 = arith.constant 4 : i32
    %dma_start3A_522 = arith.constant 0 : i32
    %dma_start3A_523 = arith.constant 0 : i32
    %dma_start3A_524 = tpu.memref_slice %arg6[%dma_start3A_520, %dma_start3A_522, %dma_start3A_523] : memref<5x128x128xf32, #tpu.memory_space<vmem>> -> memref<1x128x128xf32, #tpu.memory_space<vmem>>
    %dma_start3A_525 = tpu.memref_squeeze %dma_start3A_524 : memref<1x128x128xf32, #tpu.memory_space<vmem>> -> memref<128x128xf32, #tpu.memory_space<vmem>>
    %dma_start3A_526 = arith.constant 0 : i32
    %dma_start3A_527 = tpu.memref_slice %arg4[%add3A_519, %dma_start3A_526] : memref<204800x128xf32, #tpu.memory_space<hbm>> -> memref<128x128xf32, #tpu.memory_space<hbm>>
    %dma_start3A_528 = tpu.memref_slice %arg8[%dma_start3A_521] : memref<5x!tpu.dma_semaphore, #tpu.memory_space<semaphore_mem>> -> memref<1x!tpu.dma_semaphore, #tpu.memory_space<semaphore_mem>>
    %dma_start3A_529 = tpu.memref_squeeze %dma_start3A_528 : memref<1x!tpu.dma_semaphore, #tpu.memory_space<semaphore_mem>> -> memref<!tpu.dma_semaphore, #tpu.memory_space<semaphore_mem>>
    %dma_start3A_530 = arith.constant 0 : i32
    %dma_start3A_531 = tpu.memref_slice %arg4[%add3A_519, %dma_start3A_530] : memref<204800x128xf32, #tpu.memory_space<hbm>> -> memref<128x128xf32, #tpu.memory_space<hbm>>
    %dma_start3A_532 = arith.constant 0 : i32
    %dma_start3A_533 = arith.constant 0 : i32
    %dma_start3A_534 = tpu.memref_slice %arg6[%dma_start3A_520, %dma_start3A_532, %dma_start3A_533] : memref<5x128x128xf32, #tpu.memory_space<vmem>> -> memref<1x128x128xf32, #tpu.memory_space<vmem>>
    %dma_start3A_535 = tpu.memref_squeeze %dma_start3A_534 : memref<1x128x128xf32, #tpu.memory_space<vmem>> -> memref<128x128xf32, #tpu.memory_space<vmem>>
    tpu.enqueue_dma source(%dma_start3A_535 : memref<128x128xf32, #tpu.memory_space<vmem>>) target(%dma_start3A_531 : memref<128x128xf32, #tpu.memory_space<hbm>>) target_semaphore(%dma_start3A_529 : memref<!tpu.dma_semaphore, #tpu.memory_space<semaphore_mem>>)
    %add3A_536 = arith.constant 5760 : i32
    %add3A_537 = arith.addi %mul3A_2, %add3A_536 : i32
    %dma_wait3A_538 = arith.constant 0 : i32
    %dma_wait3A_539 = arith.constant 0 : i32
    %dma_wait3A_540 = arith.constant 0 : i32
    %dma_wait3A_541 = arith.constant 0 : i32
    %dma_wait3A_542 = tpu.memref_slice %arg6[%dma_wait3A_538, %dma_wait3A_540, %dma_wait3A_541] : memref<5x128x128xf32, #tpu.memory_space<vmem>> -> memref<1x128x128xf32, #tpu.memory_space<vmem>>
    %dma_wait3A_543 = tpu.memref_squeeze %dma_wait3A_542 : memref<1x128x128xf32, #tpu.memory_space<vmem>> -> memref<128x128xf32, #tpu.memory_space<vmem>>
    %dma_wait3A_544 = arith.constant 0 : i32
    %dma_wait3A_545 = tpu.memref_slice %arg4[%add3A_537, %dma_wait3A_544] : memref<204800x128xf32, #tpu.memory_space<hbm>> -> memref<128x128xf32, #tpu.memory_space<hbm>>
    %dma_wait3A_546 = tpu.memref_slice %arg8[%dma_wait3A_539] : memref<5x!tpu.dma_semaphore, #tpu.memory_space<semaphore_mem>> -> memref<1x!tpu.dma_semaphore, #tpu.memory_space<semaphore_mem>>
    %dma_wait3A_547 = tpu.memref_squeeze %dma_wait3A_546 : memref<1x!tpu.dma_semaphore, #tpu.memory_space<semaphore_mem>> -> memref<!tpu.dma_semaphore, #tpu.memory_space<semaphore_mem>>
    %dma_wait3A_548 = arith.constant 0 : i32
    %dma_wait3A_549 = tpu.memref_slice %arg4[%add3A_537, %dma_wait3A_548] : memref<204800x128xf32, #tpu.memory_space<hbm>> -> memref<128x128xf32, #tpu.memory_space<hbm>>
    %dma_wait3A_550 = arith.constant 0 : i32
    %dma_wait3A_551 = arith.constant 0 : i32
    %dma_wait3A_552 = tpu.memref_slice %arg6[%dma_wait3A_538, %dma_wait3A_550, %dma_wait3A_551] : memref<5x128x128xf32, #tpu.memory_space<vmem>> -> memref<1x128x128xf32, #tpu.memory_space<vmem>>
    %dma_wait3A_553 = tpu.memref_squeeze %dma_wait3A_552 : memref<1x128x128xf32, #tpu.memory_space<vmem>> -> memref<128x128xf32, #tpu.memory_space<vmem>>
    tpu.wait_dma2 semaphore(%dma_wait3A_547 : memref<!tpu.dma_semaphore, #tpu.memory_space<semaphore_mem>>) src(%dma_wait3A_553 : memref<128x128xf32, #tpu.memory_space<vmem>>) dst(%dma_wait3A_549 : memref<128x128xf32, #tpu.memory_space<hbm>>)
    %add3A_554 = arith.constant 5888 : i32
    %add3A_555 = arith.addi %mul3A_2, %add3A_554 : i32
    %dma_wait3A_556 = arith.constant 1 : i32
    %dma_wait3A_557 = arith.constant 1 : i32
    %dma_wait3A_558 = arith.constant 0 : i32
    %dma_wait3A_559 = arith.constant 0 : i32
    %dma_wait3A_560 = tpu.memref_slice %arg6[%dma_wait3A_556, %dma_wait3A_558, %dma_wait3A_559] : memref<5x128x128xf32, #tpu.memory_space<vmem>> -> memref<1x128x128xf32, #tpu.memory_space<vmem>>
    %dma_wait3A_561 = tpu.memref_squeeze %dma_wait3A_560 : memref<1x128x128xf32, #tpu.memory_space<vmem>> -> memref<128x128xf32, #tpu.memory_space<vmem>>
    %dma_wait3A_562 = arith.constant 0 : i32
    %dma_wait3A_563 = tpu.memref_slice %arg4[%add3A_555, %dma_wait3A_562] : memref<204800x128xf32, #tpu.memory_space<hbm>> -> memref<128x128xf32, #tpu.memory_space<hbm>>
    %dma_wait3A_564 = tpu.memref_slice %arg8[%dma_wait3A_557] : memref<5x!tpu.dma_semaphore, #tpu.memory_space<semaphore_mem>> -> memref<1x!tpu.dma_semaphore, #tpu.memory_space<semaphore_mem>>
    %dma_wait3A_565 = tpu.memref_squeeze %dma_wait3A_564 : memref<1x!tpu.dma_semaphore, #tpu.memory_space<semaphore_mem>> -> memref<!tpu.dma_semaphore, #tpu.memory_space<semaphore_mem>>
    %dma_wait3A_566 = arith.constant 0 : i32
    %dma_wait3A_567 = tpu.memref_slice %arg4[%add3A_555, %dma_wait3A_566] : memref<204800x128xf32, #tpu.memory_space<hbm>> -> memref<128x128xf32, #tpu.memory_space<hbm>>
    %dma_wait3A_568 = arith.constant 0 : i32
    %dma_wait3A_569 = arith.constant 0 : i32
    %dma_wait3A_570 = tpu.memref_slice %arg6[%dma_wait3A_556, %dma_wait3A_568, %dma_wait3A_569] : memref<5x128x128xf32, #tpu.memory_space<vmem>> -> memref<1x128x128xf32, #tpu.memory_space<vmem>>
    %dma_wait3A_571 = tpu.memref_squeeze %dma_wait3A_570 : memref<1x128x128xf32, #tpu.memory_space<vmem>> -> memref<128x128xf32, #tpu.memory_space<vmem>>
    tpu.wait_dma2 semaphore(%dma_wait3A_565 : memref<!tpu.dma_semaphore, #tpu.memory_space<semaphore_mem>>) src(%dma_wait3A_571 : memref<128x128xf32, #tpu.memory_space<vmem>>) dst(%dma_wait3A_567 : memref<128x128xf32, #tpu.memory_space<hbm>>)
    %add3A_572 = arith.constant 6016 : i32
    %add3A_573 = arith.addi %mul3A_2, %add3A_572 : i32
    %dma_wait3A_574 = arith.constant 2 : i32
    %dma_wait3A_575 = arith.constant 2 : i32
    %dma_wait3A_576 = arith.constant 0 : i32
    %dma_wait3A_577 = arith.constant 0 : i32
    %dma_wait3A_578 = tpu.memref_slice %arg6[%dma_wait3A_574, %dma_wait3A_576, %dma_wait3A_577] : memref<5x128x128xf32, #tpu.memory_space<vmem>> -> memref<1x128x128xf32, #tpu.memory_space<vmem>>
    %dma_wait3A_579 = tpu.memref_squeeze %dma_wait3A_578 : memref<1x128x128xf32, #tpu.memory_space<vmem>> -> memref<128x128xf32, #tpu.memory_space<vmem>>
    %dma_wait3A_580 = arith.constant 0 : i32
    %dma_wait3A_581 = tpu.memref_slice %arg4[%add3A_573, %dma_wait3A_580] : memref<204800x128xf32, #tpu.memory_space<hbm>> -> memref<128x128xf32, #tpu.memory_space<hbm>>
    %dma_wait3A_582 = tpu.memref_slice %arg8[%dma_wait3A_575] : memref<5x!tpu.dma_semaphore, #tpu.memory_space<semaphore_mem>> -> memref<1x!tpu.dma_semaphore, #tpu.memory_space<semaphore_mem>>
    %dma_wait3A_583 = tpu.memref_squeeze %dma_wait3A_582 : memref<1x!tpu.dma_semaphore, #tpu.memory_space<semaphore_mem>> -> memref<!tpu.dma_semaphore, #tpu.memory_space<semaphore_mem>>
    %dma_wait3A_584 = arith.constant 0 : i32
    %dma_wait3A_585 = tpu.memref_slice %arg4[%add3A_573, %dma_wait3A_584] : memref<204800x128xf32, #tpu.memory_space<hbm>> -> memref<128x128xf32, #tpu.memory_space<hbm>>
    %dma_wait3A_586 = arith.constant 0 : i32
    %dma_wait3A_587 = arith.constant 0 : i32
    %dma_wait3A_588 = tpu.memref_slice %arg6[%dma_wait3A_574, %dma_wait3A_586, %dma_wait3A_587] : memref<5x128x128xf32, #tpu.memory_space<vmem>> -> memref<1x128x128xf32, #tpu.memory_space<vmem>>
    %dma_wait3A_589 = tpu.memref_squeeze %dma_wait3A_588 : memref<1x128x128xf32, #tpu.memory_space<vmem>> -> memref<128x128xf32, #tpu.memory_space<vmem>>
    tpu.wait_dma2 semaphore(%dma_wait3A_583 : memref<!tpu.dma_semaphore, #tpu.memory_space<semaphore_mem>>) src(%dma_wait3A_589 : memref<128x128xf32, #tpu.memory_space<vmem>>) dst(%dma_wait3A_585 : memref<128x128xf32, #tpu.memory_space<hbm>>)
    %add3A_590 = arith.constant 6144 : i32
    %add3A_591 = arith.addi %mul3A_2, %add3A_590 : i32
    %dma_wait3A_592 = arith.constant 3 : i32
    %dma_wait3A_593 = arith.constant 3 : i32
    %dma_wait3A_594 = arith.constant 0 : i32
    %dma_wait3A_595 = arith.constant 0 : i32
    %dma_wait3A_596 = tpu.memref_slice %arg6[%dma_wait3A_592, %dma_wait3A_594, %dma_wait3A_595] : memref<5x128x128xf32, #tpu.memory_space<vmem>> -> memref<1x128x128xf32, #tpu.memory_space<vmem>>
    %dma_wait3A_597 = tpu.memref_squeeze %dma_wait3A_596 : memref<1x128x128xf32, #tpu.memory_space<vmem>> -> memref<128x128xf32, #tpu.memory_space<vmem>>
    %dma_wait3A_598 = arith.constant 0 : i32
    %dma_wait3A_599 = tpu.memref_slice %arg4[%add3A_591, %dma_wait3A_598] : memref<204800x128xf32, #tpu.memory_space<hbm>> -> memref<128x128xf32, #tpu.memory_space<hbm>>
    %dma_wait3A_600 = tpu.memref_slice %arg8[%dma_wait3A_593] : memref<5x!tpu.dma_semaphore, #tpu.memory_space<semaphore_mem>> -> memref<1x!tpu.dma_semaphore, #tpu.memory_space<semaphore_mem>>
    %dma_wait3A_601 = tpu.memref_squeeze %dma_wait3A_600 : memref<1x!tpu.dma_semaphore, #tpu.memory_space<semaphore_mem>> -> memref<!tpu.dma_semaphore, #tpu.memory_space<semaphore_mem>>
    %dma_wait3A_602 = arith.constant 0 : i32
    %dma_wait3A_603 = tpu.memref_slice %arg4[%add3A_591, %dma_wait3A_602] : memref<204800x128xf32, #tpu.memory_space<hbm>> -> memref<128x128xf32, #tpu.memory_space<hbm>>
    %dma_wait3A_604 = arith.constant 0 : i32
    %dma_wait3A_605 = arith.constant 0 : i32
    %dma_wait3A_606 = tpu.memref_slice %arg6[%dma_wait3A_592, %dma_wait3A_604, %dma_wait3A_605] : memref<5x128x128xf32, #tpu.memory_space<vmem>> -> memref<1x128x128xf32, #tpu.memory_space<vmem>>
    %dma_wait3A_607 = tpu.memref_squeeze %dma_wait3A_606 : memref<1x128x128xf32, #tpu.memory_space<vmem>> -> memref<128x128xf32, #tpu.memory_space<vmem>>
    tpu.wait_dma2 semaphore(%dma_wait3A_601 : memref<!tpu.dma_semaphore, #tpu.memory_space<semaphore_mem>>) src(%dma_wait3A_607 : memref<128x128xf32, #tpu.memory_space<vmem>>) dst(%dma_wait3A_603 : memref<128x128xf32, #tpu.memory_space<hbm>>)
    %add3A_608 = arith.constant 6272 : i32
    %add3A_609 = arith.addi %mul3A_2, %add3A_608 : i32
    %dma_wait3A_610 = arith.constant 4 : i32
    %dma_wait3A_611 = arith.constant 4 : i32
    %dma_wait3A_612 = arith.constant 0 : i32
    %dma_wait3A_613 = arith.constant 0 : i32
    %dma_wait3A_614 = tpu.memref_slice %arg6[%dma_wait3A_610, %dma_wait3A_612, %dma_wait3A_613] : memref<5x128x128xf32, #tpu.memory_space<vmem>> -> memref<1x128x128xf32, #tpu.memory_space<vmem>>
    %dma_wait3A_615 = tpu.memref_squeeze %dma_wait3A_614 : memref<1x128x128xf32, #tpu.memory_space<vmem>> -> memref<128x128xf32, #tpu.memory_space<vmem>>
    %dma_wait3A_616 = arith.constant 0 : i32
    %dma_wait3A_617 = tpu.memref_slice %arg4[%add3A_609, %dma_wait3A_616] : memref<204800x128xf32, #tpu.memory_space<hbm>> -> memref<128x128xf32, #tpu.memory_space<hbm>>
    %dma_wait3A_618 = tpu.memref_slice %arg8[%dma_wait3A_611] : memref<5x!tpu.dma_semaphore, #tpu.memory_space<semaphore_mem>> -> memref<1x!tpu.dma_semaphore, #tpu.memory_space<semaphore_mem>>
    %dma_wait3A_619 = tpu.memref_squeeze %dma_wait3A_618 : memref<1x!tpu.dma_semaphore, #tpu.memory_space<semaphore_mem>> -> memref<!tpu.dma_semaphore, #tpu.memory_space<semaphore_mem>>
    %dma_wait3A_620 = arith.constant 0 : i32
    %dma_wait3A_621 = tpu.memref_slice %arg4[%add3A_609, %dma_wait3A_620] : memref<204800x128xf32, #tpu.memory_space<hbm>> -> memref<128x128xf32, #tpu.memory_space<hbm>>
    %dma_wait3A_622 = arith.constant 0 : i32
    %dma_wait3A_623 = arith.constant 0 : i32
    %dma_wait3A_624 = tpu.memref_slice %arg6[%dma_wait3A_610, %dma_wait3A_622, %dma_wait3A_623] : memref<5x128x128xf32, #tpu.memory_space<vmem>> -> memref<1x128x128xf32, #tpu.memory_space<vmem>>
    %dma_wait3A_625 = tpu.memref_squeeze %dma_wait3A_624 : memref<1x128x128xf32, #tpu.memory_space<vmem>> -> memref<128x128xf32, #tpu.memory_space<vmem>>
    tpu.wait_dma2 semaphore(%dma_wait3A_619 : memref<!tpu.dma_semaphore, #tpu.memory_space<semaphore_mem>>) src(%dma_wait3A_625 : memref<128x128xf32, #tpu.memory_space<vmem>>) dst(%dma_wait3A_621 : memref<128x128xf32, #tpu.memory_space<hbm>>)
    return
  }
}

</mosaic_0001>

<sc_bundles>
// kernel: _embedding_sc.3.cloned.1.call-start
scs
__scs_entry_jumppad:
0x0: {  	(pc) =	sbr.rel $0x88, $3  }
0x1: {  	(tag) =	ssettag $0x0;
	lr =	simm.s32 $0x1  }
0x2: {  	[smem:$0x3F9F] =	sst lr;
	_ =	strace $0xD0000000  }
0x3: {  	_ = 	snop  }
0x4: {  	_ = 	snop  }
0x5: {  	_ = 	snop  }
0x6: {  	_ = 	snop  }
0x7: {  	_ = 	snop  }
__scs_overlays_trampoline_lowered:
0x8: {  	[smem:$0x3FAE] =	sst s0  }
0x9: {  	[smem:$0x3FAF] =	sst s1  }
0xa: {  	[smem:$0x3FB0] =	sst s2  }
0xb: {  	[smem:$0x3FB1] =	sst s3  }
0xc: {  	[smem:$0x3FB2] =	sst s4  }
0xd: {  	[smem:$0x3FB3] =	sst s5  }
0xe: {  	[smem:$0x3FB4] =	sst s6  }
0xf: {  	[smem:$0x3FB5] =	sst s7  }
0x10: {  	[smem:$0x3FB6] =	sst s8  }
0x11: {  	[smem:$0x3FB7] =	sst s9;
	s0 =	simm.s32 @!p0 $0x0  }
0x12: {  	s1 =	sld [smem:$0x3F9D];
	s0 =	simm.s32 @p0 $0x1  }
0x13: {  	[smem:$0x3FB8] =	sst s0;
	s0 =	simm.s32 @!p1 $0x0  }
0x14: {  	s2 =	sld [smem:$0x3F9C];
	s0 =	simm.s32 @p1 $0x1  }
0x15: {  	[smem:$0x3FB9] =	sst s0;
	s0 =	simm.s32 @!p2 $0x0  }
0x16: {  	s3 =	sld [smem:$0x3FDB];
	s0 =	simm.s32 @p2 $0x1  }
0x17: {  	s4 =	simm.s32 $0x1BF5;
	[smem:$0x3FBB] =	sst s0  }
0x18: {  	s0 =	sld [smem:$0x3F9E];
	_ =	swait.ge [sflag:s4], $0x0  }
0x19: {  	s7 =	sld [smem:$0x3F9F]  }
0x1a: {  	s8 =	sadd.s32 $0xFFFFE003, lr  }
0x1b: {  	s9 =	sadd.s32 $0xFFFFFEF7, lr;
	s5 =	simm.s32 $0xFFFFFFFF;
	p2 =	slt.u32 s8, $0xFFFFF086  }
0x1c: {  	p1 =	slt.u32 s9, $0xF7A;
	s5 =	simm.s32 @!p2 $0x0  }
0x1d: {  	s5 =	simm.s32 @p1 $0x1;
	p0 =	seq.s32 s7, s2  }
0x1e: {  	s7 =	smul.u32 @!p0 $0xF7A, s2;
	p2 =	seq.s32 @!p0 s5, $0x0  }
0x1f: {  	s9 =	smul.u32 $0xF7A, s1;
	s8 =	simm.s32 @!p0 $0x1BF5;
	p2 =	por !p2, p0  }
0x20: {  	[sflag:s8] =	ssyncset.s32 @!p0 $0xFFFFF086;
	s6 =	sadd.s32 @!p0 s3, s7;
	s7 =	simm.s32 @!p0 $0x108  }
0x21: {  	s3 =	sadd.s32 s3, s9;
	s6 =	sadd.s32 @!p0 $0x88, s6;
	s7 =	simm.s32 @p2 $0x1082  }
0x22: {  	[simem:s7], [sflag:s8] =	dma.local @!p0 [hbm:s6], $0xF7A  }
0x23: {  	s9 =	sor.u32 $0xD0000000, s2;
	s6 =	simm.s32 $0x108;
	_ =	swait.ge @!p0 [sflag:s8], $0x0  }
0x24: {  	s3 =	sadd.s32 $0x88, s3;
	s6 =	simm.s32 @!p1 $0x1082;
	[sflag:s4] =	ssyncset.s32 $0xFFFFF086  }
0x25: {  	[simem:s6], [sflag:s4] =	dma.local [hbm:s3], $0xF7A  }
0x26: {  	[smem:$0x3F9F] =	sst s1;
	(tag) =	ssettag s2;
	_ =	strace s9  }
0x27: {  	s1 =	sld [smem:$0x3FAF]  }
0x28: {  	s2 =	sld [smem:$0x3FB0]  }
0x29: {  	s4 =	sld [smem:$0x3FB2]  }
0x2a: {  	p0 =	seq.s32 s5, $0x0;
	s5 =	sld [smem:$0x3FB3]  }
0x2b: {  	s6 =	sld [smem:$0x3FB4]  }
0x2c: {  	s7 =	sld [smem:$0x3FB5]  }
0x2d: {  	s3 =	simm.s32 $0x108;
	s8 =	sld [smem:$0x3FB6]  }
0x2e: {  	s3 =	simm.s32 @!p0 $0x1082;
	s9 =	sld [smem:$0x3FB7]  }
0x2f: {  	lr =	sadd.s32 s0, s3;
	s0 =	sld [smem:$0x3FAE]  }
0x30: {  	s3 =	sld [smem:$0x3FB1]  }
0x31: {  	[smem:$0x3FBA] =	sst s10  }
0x32: {  	s10 =	sld [smem:$0x3FB8];
	_ =	sdelay $0x3  }
0x33: {  	p0 =	seq.s32 s10, $0x1;
	s10 =	sld [smem:$0x3FBA];
	_ =	sdelay $0x3  }
0x34: {  	[smem:$0x3FBA] =	sst s10  }
0x35: {  	s10 =	sld [smem:$0x3FB9];
	_ =	sdelay $0x3  }
0x36: {  	p1 =	seq.s32 s10, $0x1;
	s10 =	sld [smem:$0x3FBA];
	_ =	sdelay $0x3  }
0x37: {  	[smem:$0x3FBA] =	sst s10  }
0x38: {  	s10 =	sld [smem:$0x3FBB]  }
0x39: {  	_ = 	snop;
	(pc) =	sbr.ind lr, $3  }
0x3a: {  	_ = 	snop  }
0x3b: {  	_ = 	snop  }
0x3c: {  	p2 =	seq.s32 s10, $0x1;
	s10 =	sld [smem:$0x3FBA]  }
0x3d: {  	_ =	shalt  }
0x3e: {  	_ =	shalt  }
0x3f: {  	_ =	shalt  }
0x40: {  	_ =	shalt  }
0x41: {  	_ =	shalt  }
0x42: {  	_ =	shalt  }
0x43: {  	_ =	shalt  }
0x44: {  	_ =	shalt  }
0x45: {  	_ =	shalt  }
0x46: {  	_ =	shalt  }
0x47: {  	_ =	shalt  }
0x48: {  	_ =	shalt  }
0x49: {  	_ =	shalt  }
0x4a: {  	_ =	shalt  }
0x4b: {  	_ =	shalt  }
0x4c: {  	_ =	shalt  }
0x4d: {  	_ =	shalt  }
0x4e: {  	_ =	shalt  }
0x4f: {  	_ =	shalt  }
0x50: {  	_ =	shalt  }
0x51: {  	_ =	shalt  }
0x52: {  	_ =	shalt  }
0x53: {  	_ =	shalt  }
0x54: {  	_ =	shalt  }
0x55: {  	_ =	shalt  }
0x56: {  	_ =	shalt  }
0x57: {  	_ =	shalt  }
0x58: {  	_ =	shalt  }
0x59: {  	_ =	shalt  }
0x5a: {  	_ =	shalt  }
0x5b: {  	_ =	shalt  }
0x5c: {  	_ =	shalt  }
0x5d: {  	_ =	shalt  }
0x5e: {  	_ =	shalt  }
0x5f: {  	_ =	shalt  }
0x60: {  	_ =	shalt  }
0x61: {  	_ =	shalt  }
0x62: {  	_ =	shalt  }
0x63: {  	_ =	shalt  }
0x64: {  	_ =	shalt  }
0x65: {  	_ =	shalt  }
0x66: {  	_ =	shalt  }
0x67: {  	_ =	shalt  }
0x68: {  	_ =	shalt  }
0x69: {  	_ =	shalt  }
0x6a: {  	_ =	shalt  }
0x6b: {  	_ =	shalt  }
0x6c: {  	_ =	shalt  }
0x6d: {  	_ =	shalt  }
0x6e: {  	_ =	shalt  }
0x6f: {  	_ =	shalt  }
0x70: {  	_ =	shalt  }
0x71: {  	_ =	shalt  }
0x72: {  	_ =	shalt  }
0x73: {  	_ =	shalt  }
0x74: {  	_ =	shalt  }
0x75: {  	_ =	shalt  }
0x76: {  	_ =	shalt  }
0x77: {  	_ =	shalt  }
0x78: {  	_ =	shalt  }
0x79: {  	_ =	shalt  }
0x7a: {  	_ =	shalt  }
0x7b: {  	_ =	shalt  }
0x7c: {  	_ =	shalt  }
0x7d: {  	_ =	shalt  }
0x7e: {  	_ =	shalt  }
0x7f: {  	_ =	shalt  }
0x80: {  	_ =	shalt  }
0x81: {  	_ =	shalt  }
0x82: {  	_ =	shalt  }
0x83: {  	_ =	shalt  }
0x84: {  	_ =	shalt  }
0x85: {  	_ =	shalt  }
0x86: {  	_ =	shalt  }
0x87: {  	_ =	shalt  }
.Lfunc_end0:
.L_simem_size_0:
called_computation_lowered:
.L_overlay_start_0:
0x88: {  	s2 =	sld [smem:$0x3FD9]  }
0x89: {  	s3 =	sld [smem:$0x3FFE];
	_ =	sdelay $0x1  }
0x8a: {  	s1 =	srdreg.scid  }
0x8b: {  	s0 =	sand.u32 $0x1, s1  }
0x8c: {  	s18 =	sshll.u32 s0, $0xA;
	s2 =	sadd.s32 s3, s2  }
0x8d: {  	s2 =	sadd.s32 s2, s18  }
0x8e: {  	[smem:$0x3FC6] =	sst s2  }
0x8f: {  	_ = 	snop  }
0x90: {  	s2 =	sld [smem:$0x3FC9]  }
0x91: {  	s19 =	sld [smem:$0x3FC8]  }
0x92: {  	s4 =	sld [smem:$0x3FD0];
	(tm) =	ssettm $0x1  }
0x93: {  	s5 =	sld [smem:$0x3FFB];
	_ =	sdelay $0x3  }
0x94: {  	_ =	strace s5  }
0x95: {  	s5 =	sld [smem:$0x3FFC];
	_ =	sdelay $0x3  }
0x96: {  	_ =	strace s5  }
0x97: {  	s5 =	sld [smem:$0x3FFD];
	_ =	sdelay $0x3  }
0x98: {  	_ =	strace s5  }
0x99: {  	_ =	strace $0x8FFFFFFF  }
0x9a: {  	s20 =	sld [smem:$0x3FDB];
	_ =	sdelay $0x1  }
0x9b: {  	s6 =	simm.s32 $_scs_section_size  }
0x9c: {  	s7 =	simm.s32 $_size__tile_overlayer_lowered;
	s8 =	simm.s32 $_tile_overlayer_lowered  }
0x9d: {  	s23 =	simm.s32 $0x1BFF;
	s22 =	sshll.u32 s8, $0x1;
	s5 =	sadd.s32 s6, s20  }
0x9e: {  	s9 =	simm.s32 $0x0;
	s21 =	sshll.u32 s7, $0x1;
	s7 =	sadd.s32 s22, s5  }
0x9f: {  	[timem:s9], [sflag:s23] =	dma.local [hbm:s7], s21  }
0xa0: {  	_ =	swait.ge [sflag:s23], s21  }
0xa1: {  	s6 =	ssub.s32 $0x0, s21;
	[sflag:s23] =	ssyncset.done $0x0  }
0xa2: {  	[sflag:s23] =	ssyncadd.s32 s6;
	_ =	sdelay $0x1  }
0xa3: {  	s24 =	simm.s32 $0x1B8B  }
0xa4: {  	_ =	swait.ge [sflag:s24], $0x1  }
0xa5: {  	[sflag:s24] =	ssyncset.done $0x0  }
0xa6: {  	s25 =	simm.s32 $0x1B8E;
	[sflag:s24] =	ssyncadd.s32 $0xFFFFFFFF  }
0xa7: {  	s26 =	simm.s32 $execute0_lowered;
	[smem:$0x3FD2] =	sst s25  }
0xa8: {  	s6 =	sshll.u32 s26, $0x1;
	_ =	strace $0x80000046;
	[dreg:$0x1] =	wrdreg $0xFFFFFFFF  }
0xa9: {  	s28 =	simm.s32 $_size_execute0_lowered;
	s5 =	sadd.s32 s5, s6;
	[dreg:$0x0] =	wrdreg $0x0  }
0xaa: {  	s6 =	sshll.u32 s28, $0x1;
	[dreg:$0x2] =	wrdreg s5  }
0xab: {  	[dreg:$0x3] =	wrdreg s6  }
0xac: {  	[dreg:$0x4] =	wrdreg $0xC0  }
0xad: {  	_ =	task [dreg:s9], $0x5FFFF  }
0xae: {  	[dreg:$0x1] =	wrdreg $0xFFFFFFFF  }
0xaf: {  	[dreg:$0x0] =	wrdreg $0x60  }
0xb0: {  	[dreg:$0x2] =	wrdreg s2  }
0xb1: {  	[dreg:$0x3] =	wrdreg s19  }
0xb2: {  	[dreg:$0x4] =	wrdreg s4  }
0xb3: {  	[dreg:$0x5] =	wrdreg $0x9  }
0xb4: {  	_ =	task.clear_ibuf [dreg:s9], $0x6FFFF;
	_ =	strace $0x90000046  }
0xb5: {  	s29 =	simm.s32 $0x9;
	_ =	strace $0x80000048  }
0xb6: {  	_ =	swait.ge [sflag:s29], $0x1  }
0xb7: {  	[sflag:s29] =	ssyncadd.s32 $0xFFFFFFFF  }
0xb8: {  	_ =	strace $0x90000048  }
0xb9: {  	_ =	sfence  }
0xba: {  	s30 =	sld [smem:$0x0];
	_ =	sdelay $0x2  }
0xbb: {  	s31 =	sshll.u32 s1, $0xD;
	s1 =	sshrl.u32 s1, $0x2  }
0xbc: {  	s3 =	sand.u32 $0x4000, s31;
	s1 =	sadd.s32 s1, s30  }
0xbd: {  	s0 =	sor.u32 s3, s0;
	s1 =	sshll.u32 s1, $0x11  }
0xbe: {  	s0 =	sor.u32 s1, s0  }
0xbf: {  	s0 =	sadd.s32 $0x8F2B, s0  }
0xc0: {  	[sflag:s0] =	ssyncadd.remote.s32 $0x1  }
0xc1: {  	_ =	sfence.sel $0xFFFF  }
0xc2: {  	[dreg:$0x0] =	wrdreg $0xFFFFFFFF;
	(pc) =	sbr.abs _section_cstart, $3  }
0xc3: {  	[dreg:$0x1] =	wrdreg $0xFFFFFFFF  }
0xc4: {  	_ =	task.clear_ibuf [dreg:s9], $0x2FFFF;
	_ =	strace $0x9FFFFFFF  }
0xc5: {  	(tm) =	ssettm $0x7FFFFFFF  }
tec
execute0_lowered:
.L_overlay_start_1:
0x0: {  	(tag) =	ssettag $0x1  }
0x1: {  	s0 =	rddreg [dreg:$0x0]  }
0x2: {  	s1 =	srdreg.scid;
	s2 =	rddreg [dreg:$0x1]  }
0x3: {  	s10 =	stileid.u32;
	s5 =	rddreg [dreg:$0x2]  }
0x4: {  	s17 =	simm.s32 $0xB;
	s18 =	simm.s32 $0x80;
	s19 =	simm.s32 $0x1900  }
0x5: {  	s28 =	simm.s32 $0x11900;
	s1 =	sand.u32 $0x1, s1;
	s3 =	sshll.u32 s10, $0x1  }
0x6: {  	s29 =	simm.s32 $0x2;
	s24 =	smul.u32 $0x32000, s10;
	s4 =	sor.u32 s1, s3  }
0x7: {  	s30 =	simm.s32 $0x6;
	s31 =	simm.s32 $0x9;
	s6 =	smul.u32 $0x1900, s4  }
0x8: {  	s3 =	simm.s32 $0x0;
	s7 =	ssub.s32 $0x2, s1;
	s8 =	smul.u32 $0xC8000, s4  }
0x9: {  	[smem:$0x7FF] =	sst s3;
	s9 =	sshrl.u32 s7, $0x1;
	s4 =	smul.u32 $0x19000, s4  }
0xa: {  	s1 =	smul.u32 $0x19000, s1;
	_ =	strace $0x80000047;
	s7 =	ssub.s32 s7, s9  }
0xb: {  	s8 =	sshrl.u32 s8, $0x3;
	s6 =	sshrl.u32 s6, $0x3;
	s4 =	sadd.s32 s5, s4  }
0xc: {  	s15 =	smax.u32 s7, $0x1;
	s8 =	sadd.s32 s5, s8;
	s0 =	sadd.s32 s0, s6  }
0xd: {  	s20 =	sadd.s32 $0x800, s4;
	s6 =	simm.s32 $0x0;
	[dreg:$0x4] =	wrdreg s0  }
0xe: {  	[dreg:$0x5] =	wrdreg s20;
	s21 =	sadd.s32 $0x1000, s8;
	s22 =	sadd.s32 $0x1800, s8  }
0xf: {  	s23 =	sadd.s32 $0x2000, s8;
	s25 =	sadd.s32 $0x16800, s8;
	[dreg:$0x6] =	wrdreg s21  }
0x10: {  	s26 =	sadd.s32 $0x17000, s8;
	s12 =	sadd.s32 $0x17800, s8;
	[dreg:$0x7] =	wrdreg s22  }
0x11: {  	s13 =	sadd.s32 $0x18000, s8;
	s0 =	sadd.s32 s24, s5;
	[dreg:$0x8] =	wrdreg s23  }
0x12: {  	s14 =	sadd.s32 $0x18800, s8;
	s20 =	simm.s32 $0x5900;
	[dreg:$0x9] =	wrdreg s25  }
0x13: {  	s24 =	simm.s32 $0xD900;
	s5 =	simm.s32 $0xA;
	[dreg:$0xa] =	wrdreg s26  }
0x14: {  	s0 =	sadd.s32 s1, s0;
	s22 =	simm.s32 $0x9900;
	s25 =	simm.s32 $0x1  }
0x15: {  	s1 =	simm.s32 $0x3;
	s23 =	simm.s32 $0x4;
	s26 =	simm.s32 $0x8  }
0x16: {  	s21 =	simm.s32 $0x5;
	s9 =	sadd.s32 $0x4800, s0;
	s0 =	simm.s32 $0x7  }
.LBB2_1:
0x17: {  	s7 =	rddreg [dreg:$0x4]  }
0x18: {  	[tilespmem:s3], [sflag:$0xB] =	stream.linear.gather [hbm4b:s7+s3], $0x1900, $0x38;
	[tilespmem:$0x15900] =	vst v63  }
0x19: {  	_ =	swait.ge [sflag:s17], $0x1900  }
0x1a: {  	[sflag:s17] =	ssyncset.done $0x0  }
0x1b: {  	[sflag:s17] =	ssyncadd.s32 $0xFFFFE700  }
0x1c: {  	[tilespmem:s19], [sflag:$0x1] =	stream.indirect.gather [hbm4b:s2+s18], $0x80, s3, s18, $0xb8;
	[tilespmem:$0x15900] =	vst v63  }
0x1d: {  	_ = 	snop  }
0x1e: {  	[tilespmem:s20], [sflag:$0x2] =	stream.indirect.gather [hbm4b:s2+s18], $0x80, s18, s18, $0xb8;
	[tilespmem:$0x15900] =	vst v63  }
0x1f: {  	s10 =	simm.s32 $0x100  }
0x20: {  	[tilespmem:s22], [sflag:$0x3] =	stream.indirect.gather [hbm4b:s2+s18], $0x80, s10, s18, $0xb8;
	[tilespmem:$0x15900] =	vst v63  }
0x21: {  	s11 =	simm.s32 $0x180  }
0x22: {  	[tilespmem:s24], [sflag:$0x4] =	stream.indirect.gather [hbm4b:s2+s18], $0x80, s11, s18, $0xb8;
	[tilespmem:$0x15900] =	vst v63  }
0x23: {  	_ =	swait.ge [sflag:s25], $0x4000  }
0x24: {  	[sflag:s25] =	ssyncset.done $0x0  }
0x25: {  	[sflag:s25] =	ssyncadd.s32 $0xFFFFC000  }
0x26: {  	[hbm4b:s4+s3] =	stream.linear.scatter [tilespmem:s19], [sflag:$0x6], $0x4000, $0x38;
	[tilespmem:$0x15900] =	vst v63  }
0x27: {  	s16 =	simm.s32 $0x200  }
0x28: {  	[tilespmem:s28], [sflag:$0x5] =	stream.indirect.gather [hbm4b:s2+s18], $0x80, s16, s18, $0xb8;
	[tilespmem:$0x15900] =	vst v63  }
0x29: {  	_ =	swait.ge [sflag:s29], $0x4000  }
0x2a: {  	[sflag:s29] =	ssyncset.done $0x0  }
0x2b: {  	s8 =	rddreg [dreg:$0x5];
	[sflag:s29] =	ssyncadd.s32 $0xFFFFC000  }
0x2c: {  	[hbm4b:s8+s3] =	stream.linear.scatter [tilespmem:s20], [sflag:$0x7], $0x4000, $0x38;
	[tilespmem:$0x15900] =	vst v63  }
0x2d: {  	_ =	swait.ge [sflag:s30], $0x4000  }
0x2e: {  	[sflag:s30] =	ssyncset.done $0x0  }
0x2f: {  	s10 =	simm.s32 $0x280;
	[sflag:s30] =	ssyncadd.s32 $0xFFFFC000  }
0x30: {  	[tilespmem:s19], [sflag:$0x1] =	stream.indirect.gather [hbm4b:s2+s18], $0x80, s10, s18, $0xb8;
	[tilespmem:$0x15900] =	vst v63  }
0x31: {  	_ =	swait.ge [sflag:s1], $0x4000  }
0x32: {  	[sflag:s1] =	ssyncset.done $0x0  }
0x33: {  	s11 =	rddreg [dreg:$0x6];
	[sflag:s1] =	ssyncadd.s32 $0xFFFFC000  }
0x34: {  	[hbm4b:s11+s3] =	stream.linear.scatter [tilespmem:s22], [sflag:$0x8], $0x4000, $0x38;
	[tilespmem:$0x15900] =	vst v63  }
0x35: {  	_ =	swait.ge [sflag:s0], $0x4000  }
0x36: {  	[sflag:s0] =	ssyncset.done $0x0  }
0x37: {  	s16 =	simm.s32 $0x300;
	[sflag:s0] =	ssyncadd.s32 $0xFFFFC000  }
0x38: {  	[tilespmem:s20], [sflag:$0x2] =	stream.indirect.gather [hbm4b:s2+s18], $0x80, s16, s18, $0xb8;
	[tilespmem:$0x15900] =	vst v63  }
0x39: {  	_ =	swait.ge [sflag:s23], $0x4000  }
0x3a: {  	[sflag:s23] =	ssyncset.done $0x0  }
0x3b: {  	s8 =	rddreg [dreg:$0x7];
	[sflag:s23] =	ssyncadd.s32 $0xFFFFC000  }
0x3c: {  	[hbm4b:s8+s3] =	stream.linear.scatter [tilespmem:s24], [sflag:$0x9], $0x4000, $0x38;
	[tilespmem:$0x15900] =	vst v63  }
0x3d: {  	_ =	swait.ge [sflag:s26], $0x4000  }
0x3e: {  	[sflag:s26] =	ssyncset.done $0x0  }
0x3f: {  	s10 =	simm.s32 $0x380;
	[sflag:s26] =	ssyncadd.s32 $0xFFFFC000  }
0x40: {  	[tilespmem:s22], [sflag:$0x3] =	stream.indirect.gather [hbm4b:s2+s18], $0x80, s10, s18, $0xb8;
	[tilespmem:$0x15900] =	vst v63  }
0x41: {  	_ =	swait.ge [sflag:s21], $0x4000  }
0x42: {  	[sflag:s21] =	ssyncset.done $0x0  }
0x43: {  	s11 =	rddreg [dreg:$0x8];
	[sflag:s21] =	ssyncadd.s32 $0xFFFFC000  }
0x44: {  	[hbm4b:s11+s3] =	stream.linear.scatter [tilespmem:s28], [sflag:$0xA], $0x4000, $0x38;
	[tilespmem:$0x15900] =	vst v63  }
0x45: {  	_ =	swait.ge [sflag:s31], $0x4000  }
0x46: {  	[sflag:s31] =	ssyncset.done $0x0  }
0x47: {  	s16 =	simm.s32 $0x400;
	[sflag:s31] =	ssyncadd.s32 $0xFFFFC000  }
0x48: {  	[tilespmem:s24], [sflag:$0x4] =	stream.indirect.gather [hbm4b:s2+s18], $0x80, s16, s18, $0xb8;
	[tilespmem:$0x15900] =	vst v63  }
0x49: {  	_ =	swait.ge [sflag:s25], $0x4000  }
0x4a: {  	[sflag:s25] =	ssyncset.done $0x0  }
0x4b: {  	s8 =	sadd.s32 $0xFFFFE000, s9;
	[sflag:s25] =	ssyncadd.s32 $0xFFFFC000  }
0x4c: {  	[hbm4b:s8+s3] =	stream.linear.scatter [tilespmem:s19], [sflag:$0x6], $0x4000, $0x38;
	[tilespmem:$0x15900] =	vst v63  }
0x4d: {  	_ =	swait.ge [sflag:s5], $0x4000  }
0x4e: {  	[sflag:s5] =	ssyncset.done $0x0  }
0x4f: {  	s10 =	simm.s32 $0x480;
	[sflag:s5] =	ssyncadd.s32 $0xFFFFC000  }
0x50: {  	[tilespmem:s28], [sflag:$0x5] =	stream.indirect.gather [hbm4b:s2+s18], $0x80, s10, s18, $0xb8;
	[tilespmem:$0x15900] =	vst v63  }
0x51: {  	_ =	swait.ge [sflag:s29], $0x4000  }
0x52: {  	[sflag:s29] =	ssyncset.done $0x0  }
0x53: {  	s11 =	sadd.s32 $0xFFFFE800, s9;
	[sflag:s29] =	ssyncadd.s32 $0xFFFFC000  }
0x54: {  	[hbm4b:s11+s3] =	stream.linear.scatter [tilespmem:s20], [sflag:$0x7], $0x4000, $0x38;
	[tilespmem:$0x15900] =	vst v63  }
0x55: {  	_ =	swait.ge [sflag:s30], $0x4000  }
0x56: {  	[sflag:s30] =	ssyncset.done $0x0  }
0x57: {  	s16 =	simm.s32 $0x500;
	[sflag:s30] =	ssyncadd.s32 $0xFFFFC000  }
0x58: {  	[tilespmem:s19], [sflag:$0x1] =	stream.indirect.gather [hbm4b:s2+s18], $0x80, s16, s18, $0xb8;
	[tilespmem:$0x15900] =	vst v63  }
0x59: {  	_ =	swait.ge [sflag:s1], $0x4000  }
0x5a: {  	[sflag:s1] =	ssyncset.done $0x0  }
0x5b: {  	s8 =	sadd.s32 $0xFFFFF000, s9;
	[sflag:s1] =	ssyncadd.s32 $0xFFFFC000  }
0x5c: {  	[hbm4b:s8+s3] =	stream.linear.scatter [tilespmem:s22], [sflag:$0x8], $0x4000, $0x38;
	[tilespmem:$0x15900] =	vst v63  }
0x5d: {  	_ =	swait.ge [sflag:s0], $0x4000  }
0x5e: {  	[sflag:s0] =	ssyncset.done $0x0  }
0x5f: {  	s10 =	simm.s32 $0x580;
	[sflag:s0] =	ssyncadd.s32 $0xFFFFC000  }
0x60: {  	[tilespmem:s20], [sflag:$0x2] =	stream.indirect.gather [hbm4b:s2+s18], $0x80, s10, s18, $0xb8;
	[tilespmem:$0x15900] =	vst v63  }
0x61: {  	_ =	swait.ge [sflag:s23], $0x4000  }
0x62: {  	[sflag:s23] =	ssyncset.done $0x0  }
0x63: {  	s11 =	sadd.s32 $0xFFFFF800, s9;
	[sflag:s23] =	ssyncadd.s32 $0xFFFFC000  }
0x64: {  	[hbm4b:s11+s3] =	stream.linear.scatter [tilespmem:s24], [sflag:$0x9], $0x4000, $0x38;
	[tilespmem:$0x15900] =	vst v63  }
0x65: {  	_ =	swait.ge [sflag:s26], $0x4000  }
0x66: {  	[sflag:s26] =	ssyncset.done $0x0  }
0x67: {  	s16 =	simm.s32 $0x600;
	[sflag:s26] =	ssyncadd.s32 $0xFFFFC000  }
0x68: {  	[tilespmem:s22], [sflag:$0x3] =	stream.indirect.gather [hbm4b:s2+s18], $0x80, s16, s18, $0xb8;
	[tilespmem:$0x15900] =	vst v63  }
0x69: {  	_ =	swait.ge [sflag:s21], $0x4000  }
0x6a: {  	s7 =	simm.s32 $0xA00;
	[sflag:s21] =	ssyncset.done $0x0  }
0x6b: {  	s8 =	sadd.s32 $0x2800, s9;
	s16 =	smov.u32 s9;
	[sflag:s21] =	ssyncadd.s32 $0xFFFFC000  }
.LBB2_2:
0x6c: {  	[hbm4b:s16+s3] =	stream.linear.scatter [tilespmem:s28], [sflag:$0xA], $0x4000, $0x38;
	[tilespmem:$0x15900] =	vst v63  }
0x6d: {  	s10 =	smov.u32 s7;
	s16 =	smov.u32 s8  }
0x6e: {  	p0 =	sne.s32 s7, $0x4600;
	s7 =	sadd.s32 $0xA00, s7;
	_ =	swait.ge [sflag:s31], $0x4000  }
0x6f: {  	s10 =	sshra.s32 s10, $0x2;
	[sflag:s31] =	ssyncset.done $0x0  }
0x70: {  	s11 =	sadd.s32 $0x400, s10;
	[sflag:s31] =	ssyncadd.s32 $0xFFFFC000  }
0x71: {  	[tilespmem:s24], [sflag:$0x4] =	stream.indirect.gather [hbm4b:s2+s18], $0x80, s11, s18, $0xb8;
	[tilespmem:$0x15900] =	vst v63  }
0x72: {  	_ =	swait.ge [sflag:s25], $0x4000  }
0x73: {  	[sflag:s25] =	ssyncset.done $0x0  }
0x74: {  	s11 =	sadd.s32 $0xFFFFE000, s8;
	[sflag:s25] =	ssyncadd.s32 $0xFFFFC000  }
0x75: {  	[hbm4b:s11+s3] =	stream.linear.scatter [tilespmem:s19], [sflag:$0x6], $0x4000, $0x38;
	[tilespmem:$0x15900] =	vst v63  }
0x76: {  	_ =	swait.ge [sflag:s5], $0x4000  }
0x77: {  	[sflag:s5] =	ssyncset.done $0x0  }
0x78: {  	s11 =	sadd.s32 $0x480, s10;
	[sflag:s5] =	ssyncadd.s32 $0xFFFFC000  }
0x79: {  	[tilespmem:s28], [sflag:$0x5] =	stream.indirect.gather [hbm4b:s2+s18], $0x80, s11, s18, $0xb8;
	[tilespmem:$0x15900] =	vst v63  }
0x7a: {  	_ =	swait.ge [sflag:s29], $0x4000  }
0x7b: {  	[sflag:s29] =	ssyncset.done $0x0  }
0x7c: {  	s11 =	sadd.s32 $0xFFFFE800, s8;
	[sflag:s29] =	ssyncadd.s32 $0xFFFFC000  }
0x7d: {  	[hbm4b:s11+s3] =	stream.linear.scatter [tilespmem:s20], [sflag:$0x7], $0x4000, $0x38;
	[tilespmem:$0x15900] =	vst v63  }
0x7e: {  	_ =	swait.ge [sflag:s30], $0x4000  }
0x7f: {  	[sflag:s30] =	ssyncset.done $0x0  }
0x80: {  	s11 =	sadd.s32 $0x500, s10;
	[sflag:s30] =	ssyncadd.s32 $0xFFFFC000  }
0x81: {  	[tilespmem:s19], [sflag:$0x1] =	stream.indirect.gather [hbm4b:s2+s18], $0x80, s11, s18, $0xb8;
	[tilespmem:$0x15900] =	vst v63  }
0x82: {  	_ =	swait.ge [sflag:s1], $0x4000  }
0x83: {  	[sflag:s1] =	ssyncset.done $0x0  }
0x84: {  	s11 =	sadd.s32 $0xFFFFF000, s8;
	[sflag:s1] =	ssyncadd.s32 $0xFFFFC000  }
0x85: {  	[hbm4b:s11+s3] =	stream.linear.scatter [tilespmem:s22], [sflag:$0x8], $0x4000, $0x38;
	[tilespmem:$0x15900] =	vst v63  }
0x86: {  	_ =	swait.ge [sflag:s0], $0x4000  }
0x87: {  	[sflag:s0] =	ssyncset.done $0x0  }
0x88: {  	s11 =	sadd.s32 $0x580, s10;
	[sflag:s0] =	ssyncadd.s32 $0xFFFFC000  }
0x89: {  	[tilespmem:s20], [sflag:$0x2] =	stream.indirect.gather [hbm4b:s2+s18], $0x80, s11, s18, $0xb8;
	[tilespmem:$0x15900] =	vst v63  }
0x8a: {  	_ =	swait.ge [sflag:s23], $0x4000  }
0x8b: {  	[sflag:s23] =	ssyncset.done $0x0  }
0x8c: {  	s11 =	sadd.s32 $0xFFFFF800, s8;
	[sflag:s23] =	ssyncadd.s32 $0xFFFFC000  }
0x8d: {  	[hbm4b:s11+s3] =	stream.linear.scatter [tilespmem:s24], [sflag:$0x9], $0x4000, $0x38;
	[tilespmem:$0x15900] =	vst v63  }
0x8e: {  	_ =	swait.ge [sflag:s26], $0x4000  }
0x8f: {  	[sflag:s26] =	ssyncset.done $0x0  }
.Ltmp0:
0x90: {  	s10 =	sadd.s32 $0x600, s10;
	[sflag:s26] =	ssyncadd.s32 $0xFFFFC000;
	(pc) =	sbr.rel @p0 .LBB2_2-.Ltmp0, $4  }
0x91: {  	[tilespmem:s22], [sflag:$0x3] =	stream.indirect.gather [hbm4b:s2+s18], $0x80, s10, s18, $0xb8;
	[tilespmem:$0x15900] =	vst v63  }
0x92: {  	_ =	swait.ge [sflag:s21], $0x4000  }
0x93: {  	[sflag:s21] =	ssyncset.done $0x0  }
0x94: {  	s8 =	sadd.s32 $0x2800, s8;
	[sflag:s21] =	ssyncadd.s32 $0xFFFFC000  }
0x95: {  	[hbm4b:s16+s3] =	stream.linear.scatter [tilespmem:s28], [sflag:$0xA], $0x4000, $0x38;
	[tilespmem:$0x15900] =	vst v63  }
0x96: {  	_ =	swait.ge [sflag:s31], $0x4000  }
0x97: {  	[sflag:s31] =	ssyncset.done $0x0  }
0x98: {  	s7 =	simm.s32 $0x1800;
	[sflag:s31] =	ssyncadd.s32 $0xFFFFC000  }
0x99: {  	[tilespmem:s24], [sflag:$0x4] =	stream.indirect.gather [hbm4b:s2+s18], $0x80, s7, s18, $0xb8;
	[tilespmem:$0x15900] =	vst v63  }
0x9a: {  	_ =	swait.ge [sflag:s25], $0x4000  }
0x9b: {  	[sflag:s25] =	ssyncset.done $0x0  }
0x9c: {  	s10 =	rddreg [dreg:$0x9];
	[sflag:s25] =	ssyncadd.s32 $0xFFFFC000  }
0x9d: {  	[hbm4b:s10+s3] =	stream.linear.scatter [tilespmem:s19], [sflag:$0x6], $0x4000, $0x38;
	[tilespmem:$0x15900] =	vst v63  }
0x9e: {  	_ =	swait.ge [sflag:s5], $0x4000  }
0x9f: {  	[sflag:s5] =	ssyncset.done $0x0  }
0xa0: {  	s11 =	simm.s32 $0x1880;
	[sflag:s5] =	ssyncadd.s32 $0xFFFFC000  }
0xa1: {  	[tilespmem:s28], [sflag:$0x5] =	stream.indirect.gather [hbm4b:s2+s18], $0x80, s11, s18, $0xb8;
	[tilespmem:$0x15900] =	vst v63  }
0xa2: {  	_ =	swait.ge [sflag:s29], $0x4000  }
0xa3: {  	[sflag:s29] =	ssyncset.done $0x0  }
0xa4: {  	s16 =	rddreg [dreg:$0xa];
	[sflag:s29] =	ssyncadd.s32 $0xFFFFC000  }
0xa5: {  	[hbm4b:s16+s3] =	stream.linear.scatter [tilespmem:s20], [sflag:$0x7], $0x4000, $0x38;
	[tilespmem:$0x15900] =	vst v63  }
0xa6: {  	_ =	swait.ge [sflag:s1], $0x4000  }
0xa7: {  	[sflag:s1] =	ssyncset.done $0x0  }
0xa8: {  	[sflag:s1] =	ssyncadd.s32 $0xFFFFC000  }
0xa9: {  	[hbm4b:s12+s3] =	stream.linear.scatter [tilespmem:s22], [sflag:$0x8], $0x4000, $0x38;
	[tilespmem:$0x15900] =	vst v63  }
0xaa: {  	_ =	swait.ge [sflag:s23], $0x4000  }
0xab: {  	[sflag:s23] =	ssyncset.done $0x0  }
0xac: {  	[sflag:s23] =	ssyncadd.s32 $0xFFFFC000  }
0xad: {  	[hbm4b:s13+s3] =	stream.linear.scatter [tilespmem:s24], [sflag:$0x9], $0x4000, $0x38;
	[tilespmem:$0x15900] =	vst v63  }
0xae: {  	_ =	swait.ge [sflag:s21], $0x4000  }
0xaf: {  	[sflag:s21] =	ssyncset.done $0x0  }
0xb0: {  	[sflag:s21] =	ssyncadd.s32 $0xFFFFC000  }
0xb1: {  	[hbm4b:s14+s3] =	stream.linear.scatter [tilespmem:s28], [sflag:$0xA], $0x4000, $0x38;
	[tilespmem:$0x15900] =	vst v63  }
0xb2: {  	_ =	swait.ge [sflag:s30], $0x4000  }
0xb3: {  	[sflag:s30] =	ssyncset.done $0x0  }
0xb4: {  	[sflag:s30] =	ssyncadd.s32 $0xFFFFC000  }
0xb5: {  	_ =	swait.ge [sflag:s0], $0x4000  }
0xb6: {  	[sflag:s0] =	ssyncset.done $0x0  }
0xb7: {  	[sflag:s0] =	ssyncadd.s32 $0xFFFFC000  }
0xb8: {  	_ =	swait.ge [sflag:s26], $0x4000  }
0xb9: {  	[sflag:s26] =	ssyncset.done $0x0  }
0xba: {  	s6 =	sadd.s32 $0x1, s6;
	[sflag:s26] =	ssyncadd.s32 $0xFFFFC000  }
0xbb: {  	p0 =	sne.s32 s6, s15;
	_ =	swait.ge [sflag:s31], $0x4000  }
.Ltmp1:
0xbc: {  	[sflag:s31] =	ssyncset.done $0x0;
	(pc) =	sbr.rel @p0 .LBB2_1-.Ltmp1, $4  }
0xbd: {  	[sflag:s31] =	ssyncadd.s32 $0xFFFFC000  }
0xbe: {  	_ =	swait.ge [sflag:s5], $0x4000  }
0xbf: {  	[sflag:s5] =	ssyncset.done $0x0  }
0xc0: {  	[sflag:s5] =	ssyncadd.s32 $0xFFFFC000  }
0xc1: {  	_ =	sfence.sel $0x180000  }
0xc2: {  	[bflag:$0x0] =	sbarrier.arrive $0xFFFF  }
0xc3: {  	_ =	strace $0x90000047  }
0xc4: {  	s0 =	stileid.u32;
	[bflag:$0x2] =	sbarrier.arrive $0xFFFF  }
0xc5: {  	p0 =	sne.s32 s0, $0x0;
	s0 =	rddreg [dreg:$0x3]  }
0xc6: {  	s0 =	sadd.s32 @!p0 $0x100000, s0  }
0xc7: {  	[sflag:s0] =	ssyncadd.tile.s32 @!p0 $0x1;
	_ =	shalt  }
.Lfunc_end2:
_tile_overlayer_lowered:
.L_overlay_start_2:
0xc8: {  	(tag) =	ssettag $0x2  }
0xc9: {  	s0 =	rddreg [dreg:$0x0];
	s2 =	stileid.u32  }
0xca: {  	s1 =	rddreg [dreg:$0x1];
	p0 =	sne.s32 s2, $0x0  }
0xcb: {  	s3 =	rddreg [dreg:$0x2];
	[bflag:$0x3] =	sbarrier.arrive $0xFFFF;
	s2 =	simm.s32 @!p0 $0x1C0B  }
0xcc: {  	[timem:s3], [sflag:s2] =	dma.local @!p0 [hbm:s0], s1  }
0xcd: {  	s0 =	simm.s32 @!p0 $0xB  }
0xce: {  	_ =	swait.ge @!p0 [sflag:s0], s1  }
0xcf: {  	s1 =	ssub.s32 @!p0 $0x0, s1;
	[sflag:s0] =	ssyncset.done @!p0 $0x0  }
0xd0: {  	[sflag:s0] =	ssyncadd.s32 @!p0 s1  }
0xd1: {  	[bflag:$0x3] =	sbarrier.arrive $0xFFFF  }
0xd2: {  	_ =	shalt  }

</sc_bundles>
